<compile_context>
chip_gen: v7x
topology: tpu7x:2x2x1
jax: 0.10.2.dev20260603
libtpu: 0.0.44.dev20260713+nightly
codegen_flags: <defaults>
</compile_context>

<pallas_src>
import jax
import jax.numpy as jnp
from jax import lax
from jax.experimental import pallas as pl
from jax.experimental.pallas import tpu as pltpu
from jax.experimental.pallas import tpu_sc as plsc

N = 10000
E = 320000
F = 192
FH = F // 2
NC, NS = 2, 16
EPT = E // NS
BLK = 80
NBLK = EPT // BLK
RPT = 640
NPAD = NS * RPT
R = 1000


def _final_body(x_ref, s_ref, dg_ref, mg_ref, wc_ref, wt_ref, bt_ref, o_ref):
    d = dg_ref[...]
    u = jnp.where(d > 0.0, x_ref[...] - s_ref[...] / jnp.maximum(d, 1.0), 0.0)
    outs = []
    for g in range(3):
        outs.append(jnp.dot(u[:, g * 64:(g + 1) * 64], wc_ref[g],
                            preferred_element_type=jnp.float32))
    lap = jnp.concatenate(outs, axis=1)
    t = jnp.dot(mg_ref[...], wt_ref[...],
                preferred_element_type=jnp.float32) + bt_ref[...]
    o_ref[...] = jnp.maximum(lap + t, 0.0)


_final_call = pl.pallas_call(
    _final_body,
    grid=(N // R,),
    in_specs=[pl.BlockSpec((R, F), lambda i: (i, 0)),
              pl.BlockSpec((R, F), lambda i: (i, 0)),
              pl.BlockSpec((R, 1), lambda i: (i, 0)),
              pl.BlockSpec((R, 64), lambda i: (i, 0)),
              pl.BlockSpec((3, 64, 64), lambda i: (0, 0, 0)),
              pl.BlockSpec((64, F), lambda i: (0, 0)),
              pl.BlockSpec((1, F), lambda i: (0, 0))],
    out_specs=pl.BlockSpec((R, F), lambda i: (i, 0)),
    out_shape=jax.ShapeDtypeStruct((N, F), jnp.float32),
)


NBUF = 3


def _sc_body(tab_hbm, structure_hbm, zacc_hbm, zdeg_hbm, ones_hbm,
             nbr_out, deg_out, acc_sh, deg_sh, src_v, dst_v, ring,
             ones_v, gsem, ssem, dsem):
    cid = lax.axis_index("c")
    sid = lax.axis_index("s")

    pltpu.sync_copy(zacc_hbm, acc_sh.at[pl.ds(sid * RPT, RPT)])
    pltpu.sync_copy(zdeg_hbm, deg_sh.at[pl.ds(sid * RPT, RPT)])
    pltpu.sync_copy(structure_hbm.at[0].at[pl.ds(sid * EPT, EPT)], src_v)
    pltpu.sync_copy(structure_hbm.at[1].at[pl.ds(sid * EPT, EPT)], dst_v)
    pltpu.sync_copy(ones_hbm, ones_v)

    def xform(k, carry):
        base = k * 80
        for u in range(5):
            sl = pl.ds(base + u * 16, 16)
            src_v[sl] = src_v[sl] * 2 + cid
        return carry

    lax.fori_loop(0, EPT // 80, xform, 0)
    plsc.subcore_barrier()

    def src_at(j):
        return src_v.at[pl.ds(j * BLK, BLK)]

    def dst_at(j):
        return dst_v.at[pl.ds(j * BLK, BLK)]

    pltpu.async_copy(tab_hbm.at[src_at(0)], ring.at[0], gsem.at[0])
    pltpu.async_copy(tab_hbm.at[src_at(1)], ring.at[1], gsem.at[1])

    def step(j, b):
        pltpu.make_async_copy(tab_hbm.at[src_at(j)], ring.at[b],
                              gsem.at[b]).wait()
        pltpu.async_copy(ring.at[b], acc_sh.at[dst_at(j)], ssem.at[b],
                         add=True)
        jn = j + 2
        bn = (b + 2) % NBUF

        @pl.when(jn < NBLK)
        def _next():
            @pl.when(jn >= NBUF)
            def _reuse():
                pltpu.make_async_copy(ring.at[bn], acc_sh.at[dst_at(j)],
                                      ssem.at[bn]).wait()

            pltpu.async_copy(tab_hbm.at[src_at(jn)], ring.at[bn],
                             gsem.at[bn])

        do_deg = jnp.logical_or(
            jnp.logical_and(cid == 0, j < NBLK // 2),
            jnp.logical_and(cid == 1, j >= NBLK // 2))

        @pl.when(do_deg)
        def _deg():
            pltpu.async_copy(ones_v, deg_sh.at[dst_at(j)], dsem, add=True)

    def body(k, carry):
        for u in range(NBUF):
            step(NBUF * k + u, u)
        return carry

    lax.fori_loop(0, (NBLK - 1) // NBUF, body, 0)
    for jt in range(((NBLK - 1) // NBUF) * NBUF, NBLK):
        step(jt, jt % NBUF)
    for bt in range(NBUF):
        pltpu.make_async_copy(ring.at[bt], acc_sh.at[dst_at(0)],
                              ssem.at[bt]).wait()

    def drain(j, carry):
        pltpu.make_async_copy(ones_v, deg_sh.at[dst_at(0)], dsem).wait()
        return carry

    lax.fori_loop(0, NBLK // 2, drain, 0)

    plsc.subcore_barrier()
    pltpu.sync_copy(acc_sh.at[pl.ds(sid * RPT, RPT)],
                    nbr_out.at[pl.ds(sid * RPT, RPT), pl.ds(cid * FH, FH)])
    pltpu.sync_copy(deg_sh.at[pl.ds(sid * RPT, RPT)],
                    deg_out.at[pl.ds(cid * NPAD + sid * RPT, RPT)])


_scatter_call = pl.kernel(
    _sc_body,
    out_type=[jax.ShapeDtypeStruct((NPAD, F), jnp.float32),
              jax.ShapeDtypeStruct((2 * NPAD,), jnp.float32)],
    mesh=plsc.VectorSubcoreMesh(core_axis_name="c", subcore_axis_name="s"),
    compiler_params=pltpu.CompilerParams(use_tc_tiling_on_sc=False),
    scratch_types=[
        pltpu.VMEM_SHARED((NPAD, FH), jnp.float32),
        pltpu.VMEM_SHARED((NPAD,), jnp.float32),
        pltpu.VMEM((EPT,), jnp.int32),
        pltpu.VMEM((EPT,), jnp.int32),
        pltpu.VMEM((NBUF, BLK, FH), jnp.float32),
        pltpu.VMEM((BLK,), jnp.float32),
        pltpu.SemaphoreType.DMA((NBUF,)),
        pltpu.SemaphoreType.DMA((NBUF,)),
        pltpu.SemaphoreType.DMA,
    ],
)


def kernel(data, merge, structure, w_conv, b_conv, w_t, b_t):
    wc_t = w_conv.transpose(0, 2, 1)
    data2 = data.reshape(2 * N, FH)

    zacc = jnp.zeros((RPT, FH), jnp.float32)
    zdeg = jnp.zeros((RPT,), jnp.float32)
    ones = jnp.ones((BLK,), jnp.float32)
    nsum, deg = _scatter_call(data2, structure, zacc, zdeg, ones)

    dg = (deg[:N] + deg[NPAD:NPAD + N]).reshape(N, 1)
    return _final_call(data2.reshape(N, F), nsum, dg, merge, wc_t, w_t,
                       b_t.reshape(1, F))

# --- scband reference (transcript-rebuilt; emitter-appended) ---
"""Pipeline reference for scband-wide-conv-skip-41360535061063 (READ-ONLY COPY).

The authoritative reference and input builder live on the scoring server;
editing this copy changes nothing except your own understanding.
"""

import jax, jax.numpy as jnp
import numpy as np

N = 10000
E = 320000
IN_SIZE = 64
OUT_SIZE = 64
WIDTH = 3
MERGE = 64


def setup_inputs(seed: int = 0) -> dict:
    key = jax.random.key(seed)
    k1, k2, k3, k4, k5, k6, k7 = jax.random.split(key, 7)
    data = jax.random.normal(k1, (N, IN_SIZE * WIDTH), dtype=jnp.float32)
    merge = jax.random.normal(k2, (N, MERGE), dtype=jnp.float32)
    structure = jax.random.randint(k3, (2, E), 0, N, dtype=jnp.int32)
    # grouped pointwise Conv1d weights: groups=width, each group maps in_size -> out_size
    w_conv = jax.random.normal(k4, (WIDTH, OUT_SIZE, IN_SIZE), dtype=jnp.float32) * 0.05
    b_conv = jax.random.normal(k5, (WIDTH, OUT_SIZE), dtype=jnp.float32) * 0.05
    # transform: Linear(merge_size, out_size*width)
    w_t = jax.random.normal(k6, (MERGE, OUT_SIZE * WIDTH), dtype=jnp.float32) * 0.05
    b_t = jax.random.normal(k7, (OUT_SIZE * WIDTH,), dtype=jnp.float32) * 0.05
    return {"data": data, "merge": merge, "structure": structure,
            "w_conv": w_conv, "b_conv": b_conv, "w_t": w_t, "b_t": b_t}


def _laplacian_action_normalized(x, structure, n_nodes):
    # LaplacianAction(normalized=True): for each edge (src->dst),
    # message = (x[dst] - x[src]) / deg(dst), scatter-add into dst.
    src = structure[0]
    dst = structure[1]
    e = src.shape[0]
    deg = jax.ops.segment_sum(jnp.ones((e,), dtype=jnp.float32), dst, num_segments=n_nodes)
    factor = 1.0 / deg[dst]  # per-edge 1/deg of destination (repeat_interleave(counts, counts))
    msg = (x[dst] - x[src]) * factor[:, None]
    return jax.ops.segment_sum(msg, dst, num_segments=n_nodes)


def reference(data, merge, structure, w_conv, b_conv, w_t, b_t):
    n_nodes = data.shape[0]
    # grouped 1x1 conv over channels: [N, width*in] -> [N, width*out]
    x = data.reshape(n_nodes, WIDTH, IN_SIZE)
    out = jnp.einsum('ngi,goi->ngo', x, w_conv) + b_conv[None, :, :]
    out = out.reshape(n_nodes, WIDTH * OUT_SIZE)
    # connected = LaplacianAction(normalized=True) via message passing / scatter
    lap = _laplacian_action_normalized(out, structure, n_nodes)
    # activation(lap + transform(merge)), activation = relu
    return jax.nn.relu(lap + merge @ w_t + b_t)

if __name__ == "__main__":
    import jax
    _d = setup_inputs()
    print(jax.jit(kernel)(*tuple(_d.values())))

</pallas_src>

<mosaic_0001>
#map = affine_map<(d0, d1) -> (0, 0)>
#map1 = affine_map<(d0, d1) -> (0)>
module attributes {stable_mosaic.version = 14 : i64} {
  func.func @_sc_body(%arg0: i32, %arg1: i32, %arg2: memref<20000x96xf32, #tpu.memory_space<hbm>>, %arg3: memref<2x320000xi32, #tpu.memory_space<hbm>>, %arg4: memref<640x96xf32, #tpu.memory_space<hbm>>, %arg5: memref<640xf32, #tpu.memory_space<hbm>>, %arg6: memref<80xf32, #tpu.memory_space<hbm>>, %arg7: memref<10240x192xf32, #tpu.memory_space<hbm>>, %arg8: memref<20480xf32, #tpu.memory_space<hbm>>, %arg9: memref<10240x96xf32, #tpu.memory_space<vmem_shared>>, %arg10: memref<10240xf32, #tpu.memory_space<vmem_shared>>, %arg11: memref<20000xi32, #tpu.memory_space<vmem>>, %arg12: memref<20000xi32, #tpu.memory_space<vmem>>, %arg13: memref<3x80x96xf32, #tpu.memory_space<vmem>>, %arg14: memref<80xf32, #tpu.memory_space<vmem>>, %arg15: memref<3x!tpu.dma_semaphore, #tpu.memory_space<semaphore_mem>>, %arg16: memref<3x!tpu.dma_semaphore, #tpu.memory_space<semaphore_mem>>, %arg17: memref<!tpu.dma_semaphore, #tpu.memory_space<semaphore_mem>>) attributes {dimension_semantics = [#tpu.dimension_semantics<core_parallel>, #tpu.dimension_semantics<subcore_parallel>], iteration_bounds = array<i64: 2, 16>, scalar_prefetch = 0 : i64, scratch_operands = 9 : i64, tpu.core_type = #tpu.core_type<sc_vector_subcore>, window_params = [{transform_indices = #map}, {transform_indices = #map}, {transform_indices = #map}, {transform_indices = #map1}, {transform_indices = #map1}, {transform_indices = #map}, {transform_indices = #map1}]} {
    %mul3A = arith.constant 640 : i32
    %mul3A_0 = arith.muli %arg1, %mul3A : i32
    "tpu.region"() ({
      %run_scoped3A_134 = tpu.sem_alloc : memref<!tpu.dma_semaphore, #tpu.memory_space<semaphore_mem>>
      %dma_start3A_135 = arith.constant 0 : i32
      %dma_start3A_136 = tpu.memref_slice %arg9[%mul3A_0, %dma_start3A_135] : memref<10240x96xf32, #tpu.memory_space<vmem_shared>> -> memref<640x96xf32, #tpu.memory_space<vmem_shared>>
      tpu.enqueue_dma source(%arg4 : memref<640x96xf32, #tpu.memory_space<hbm>>) target(%dma_start3A_136 : memref<640x96xf32, #tpu.memory_space<vmem_shared>>) target_semaphore(%run_scoped3A_134 : memref<!tpu.dma_semaphore, #tpu.memory_space<semaphore_mem>>)
      %dma_wait3A_137 = arith.constant 0 : i32
      %dma_wait3A_138 = tpu.memref_slice %arg9[%mul3A_0, %dma_wait3A_137] : memref<10240x96xf32, #tpu.memory_space<vmem_shared>> -> memref<640x96xf32, #tpu.memory_space<vmem_shared>>
      tpu.wait_dma2 semaphore(%run_scoped3A_134 : memref<!tpu.dma_semaphore, #tpu.memory_space<semaphore_mem>>) src(%arg4 : memref<640x96xf32, #tpu.memory_space<hbm>>) dst(%dma_wait3A_138 : memref<640x96xf32, #tpu.memory_space<vmem_shared>>)
      tpu.yield
    }) : () -> ()
    %mul3A_1 = arith.constant 640 : i32
    %mul3A_2 = arith.muli %arg1, %mul3A_1 : i32
    "tpu.region"() ({
      %run_scoped3A_134 = tpu.sem_alloc : memref<!tpu.dma_semaphore, #tpu.memory_space<semaphore_mem>>
      %dma_start3A_135 = tpu.memref_slice %arg10[%mul3A_2] : memref<10240xf32, #tpu.memory_space<vmem_shared>> -> memref<640xf32, #tpu.memory_space<vmem_shared>>
      tpu.enqueue_dma source(%arg5 : memref<640xf32, #tpu.memory_space<hbm>>) target(%dma_start3A_135 : memref<640xf32, #tpu.memory_space<vmem_shared>>) target_semaphore(%run_scoped3A_134 : memref<!tpu.dma_semaphore, #tpu.memory_space<semaphore_mem>>)
      %dma_wait3A_136 = tpu.memref_slice %arg10[%mul3A_2] : memref<10240xf32, #tpu.memory_space<vmem_shared>> -> memref<640xf32, #tpu.memory_space<vmem_shared>>
      tpu.wait_dma2 semaphore(%run_scoped3A_134 : memref<!tpu.dma_semaphore, #tpu.memory_space<semaphore_mem>>) src(%arg5 : memref<640xf32, #tpu.memory_space<hbm>>) dst(%dma_wait3A_136 : memref<640xf32, #tpu.memory_space<vmem_shared>>)
      tpu.yield
    }) : () -> ()
    %mul3A_3 = arith.constant 20000 : i32
    %mul3A_4 = arith.muli %arg1, %mul3A_3 : i32
    %run_scoped3A = arith.constant 0 : i32
    "tpu.region"() ({
      %run_scoped3A_134 = tpu.sem_alloc : memref<!tpu.dma_semaphore, #tpu.memory_space<semaphore_mem>>
      %dma_start3A_135 = arith.constant 0 : i32
      %dma_start3A_136 = tpu.memref_slice %arg3[%run_scoped3A, %dma_start3A_135] : memref<2x320000xi32, #tpu.memory_space<hbm>> -> memref<1x320000xi32, #tpu.memory_space<hbm>>
      %dma_start3A_137 = tpu.memref_squeeze %dma_start3A_136 : memref<1x320000xi32, #tpu.memory_space<hbm>> -> memref<320000xi32, #tpu.memory_space<hbm>>
      %dma_start3A_138 = tpu.memref_slice %dma_start3A_137[%mul3A_4] : memref<320000xi32, #tpu.memory_space<hbm>> -> memref<20000xi32, #tpu.memory_space<hbm>>
      %dma_start3A_139 = arith.constant 0 : i32
      %dma_start3A_140 = tpu.memref_slice %arg3[%run_scoped3A, %dma_start3A_139] : memref<2x320000xi32, #tpu.memory_space<hbm>> -> memref<1x320000xi32, #tpu.memory_space<hbm>>
      %dma_start3A_141 = tpu.memref_squeeze %dma_start3A_140 : memref<1x320000xi32, #tpu.memory_space<hbm>> -> memref<320000xi32, #tpu.memory_space<hbm>>
      %dma_start3A_142 = tpu.memref_slice %dma_start3A_141[%mul3A_4] : memref<320000xi32, #tpu.memory_space<hbm>> -> memref<20000xi32, #tpu.memory_space<hbm>>
      tpu.enqueue_dma source(%dma_start3A_142 : memref<20000xi32, #tpu.memory_space<hbm>>) target(%arg11 : memref<20000xi32, #tpu.memory_space<vmem>>) target_semaphore(%run_scoped3A_134 : memref<!tpu.dma_semaphore, #tpu.memory_space<semaphore_mem>>)
      %dma_wait3A_143 = arith.constant 0 : i32
      %dma_wait3A_144 = tpu.memref_slice %arg3[%run_scoped3A, %dma_wait3A_143] : memref<2x320000xi32, #tpu.memory_space<hbm>> -> memref<1x320000xi32, #tpu.memory_space<hbm>>
      %dma_wait3A_145 = tpu.memref_squeeze %dma_wait3A_144 : memref<1x320000xi32, #tpu.memory_space<hbm>> -> memref<320000xi32, #tpu.memory_space<hbm>>
      %dma_wait3A_146 = tpu.memref_slice %dma_wait3A_145[%mul3A_4] : memref<320000xi32, #tpu.memory_space<hbm>> -> memref<20000xi32, #tpu.memory_space<hbm>>
      %dma_wait3A_147 = arith.constant 0 : i32
      %dma_wait3A_148 = tpu.memref_slice %arg3[%run_scoped3A, %dma_wait3A_147] : memref<2x320000xi32, #tpu.memory_space<hbm>> -> memref<1x320000xi32, #tpu.memory_space<hbm>>
      %dma_wait3A_149 = tpu.memref_squeeze %dma_wait3A_148 : memref<1x320000xi32, #tpu.memory_space<hbm>> -> memref<320000xi32, #tpu.memory_space<hbm>>
      %dma_wait3A_150 = tpu.memref_slice %dma_wait3A_149[%mul3A_4] : memref<320000xi32, #tpu.memory_space<hbm>> -> memref<20000xi32, #tpu.memory_space<hbm>>
      tpu.wait_dma2 semaphore(%run_scoped3A_134 : memref<!tpu.dma_semaphore, #tpu.memory_space<semaphore_mem>>) src(%dma_wait3A_150 : memref<20000xi32, #tpu.memory_space<hbm>>) dst(%arg11 : memref<20000xi32, #tpu.memory_space<vmem>>)
      tpu.yield
    }) : () -> ()
    %mul3A_5 = arith.constant 20000 : i32
    %mul3A_6 = arith.muli %arg1, %mul3A_5 : i32
    %run_scoped3A_7 = arith.constant 1 : i32
    "tpu.region"() ({
      %run_scoped3A_134 = tpu.sem_alloc : memref<!tpu.dma_semaphore, #tpu.memory_space<semaphore_mem>>
      %dma_start3A_135 = arith.constant 0 : i32
      %dma_start3A_136 = tpu.memref_slice %arg3[%run_scoped3A_7, %dma_start3A_135] : memref<2x320000xi32, #tpu.memory_space<hbm>> -> memref<1x320000xi32, #tpu.memory_space<hbm>>
      %dma_start3A_137 = tpu.memref_squeeze %dma_start3A_136 : memref<1x320000xi32, #tpu.memory_space<hbm>> -> memref<320000xi32, #tpu.memory_space<hbm>>
      %dma_start3A_138 = tpu.memref_slice %dma_start3A_137[%mul3A_6] : memref<320000xi32, #tpu.memory_space<hbm>> -> memref<20000xi32, #tpu.memory_space<hbm>>
      %dma_start3A_139 = arith.constant 0 : i32
      %dma_start3A_140 = tpu.memref_slice %arg3[%run_scoped3A_7, %dma_start3A_139] : memref<2x320000xi32, #tpu.memory_space<hbm>> -> memref<1x320000xi32, #tpu.memory_space<hbm>>
      %dma_start3A_141 = tpu.memref_squeeze %dma_start3A_140 : memref<1x320000xi32, #tpu.memory_space<hbm>> -> memref<320000xi32, #tpu.memory_space<hbm>>
      %dma_start3A_142 = tpu.memref_slice %dma_start3A_141[%mul3A_6] : memref<320000xi32, #tpu.memory_space<hbm>> -> memref<20000xi32, #tpu.memory_space<hbm>>
      tpu.enqueue_dma source(%dma_start3A_142 : memref<20000xi32, #tpu.memory_space<hbm>>) target(%arg12 : memref<20000xi32, #tpu.memory_space<vmem>>) target_semaphore(%run_scoped3A_134 : memref<!tpu.dma_semaphore, #tpu.memory_space<semaphore_mem>>)
      %dma_wait3A_143 = arith.constant 0 : i32
      %dma_wait3A_144 = tpu.memref_slice %arg3[%run_scoped3A_7, %dma_wait3A_143] : memref<2x320000xi32, #tpu.memory_space<hbm>> -> memref<1x320000xi32, #tpu.memory_space<hbm>>
      %dma_wait3A_145 = tpu.memref_squeeze %dma_wait3A_144 : memref<1x320000xi32, #tpu.memory_space<hbm>> -> memref<320000xi32, #tpu.memory_space<hbm>>
      %dma_wait3A_146 = tpu.memref_slice %dma_wait3A_145[%mul3A_6] : memref<320000xi32, #tpu.memory_space<hbm>> -> memref<20000xi32, #tpu.memory_space<hbm>>
      %dma_wait3A_147 = arith.constant 0 : i32
      %dma_wait3A_148 = tpu.memref_slice %arg3[%run_scoped3A_7, %dma_wait3A_147] : memref<2x320000xi32, #tpu.memory_space<hbm>> -> memref<1x320000xi32, #tpu.memory_space<hbm>>
      %dma_wait3A_149 = tpu.memref_squeeze %dma_wait3A_148 : memref<1x320000xi32, #tpu.memory_space<hbm>> -> memref<320000xi32, #tpu.memory_space<hbm>>
      %dma_wait3A_150 = tpu.memref_slice %dma_wait3A_149[%mul3A_6] : memref<320000xi32, #tpu.memory_space<hbm>> -> memref<20000xi32, #tpu.memory_space<hbm>>
      tpu.wait_dma2 semaphore(%run_scoped3A_134 : memref<!tpu.dma_semaphore, #tpu.memory_space<semaphore_mem>>) src(%dma_wait3A_150 : memref<20000xi32, #tpu.memory_space<hbm>>) dst(%arg12 : memref<20000xi32, #tpu.memory_space<vmem>>)
      tpu.yield
    }) : () -> ()
    "tpu.region"() ({
      %run_scoped3A_134 = tpu.sem_alloc : memref<!tpu.dma_semaphore, #tpu.memory_space<semaphore_mem>>
      tpu.enqueue_dma source(%arg6 : memref<80xf32, #tpu.memory_space<hbm>>) target(%arg14 : memref<80xf32, #tpu.memory_space<vmem>>) target_semaphore(%run_scoped3A_134 : memref<!tpu.dma_semaphore, #tpu.memory_space<semaphore_mem>>)
      tpu.wait_dma2 semaphore(%run_scoped3A_134 : memref<!tpu.dma_semaphore, #tpu.memory_space<semaphore_mem>>) src(%arg6 : memref<80xf32, #tpu.memory_space<hbm>>) dst(%arg14 : memref<80xf32, #tpu.memory_space<vmem>>)
      tpu.yield
    }) : () -> ()
    %scan3A = arith.constant 0 : i32
    %scan3A_8 = arith.constant 0 : i32
    %scan3A_9 = arith.constant 250 : i32
    %scan3A_10 = arith.addi %scan3A_8, %scan3A_9 : i32
    %scan3A_11 = arith.constant 1 : i32
    scf.for %scan3A_134 = %scan3A_8 to %scan3A_10 step %scan3A_11  : i32 {
      %mul3A_135 = arith.constant 80 : i32
      %mul3A_136 = arith.muli %scan3A_134, %mul3A_135 : i32
      %add3A_137 = arith.constant 0 : i32
      %add3A_138 = arith.addi %mul3A_136, %add3A_137 : i32
      %get3A = arith.index_cast %add3A_138 : i32 to index
      %get3A_139 = tpu.vector_load %arg11[%get3A] {strides = array<i32>} : memref<20000xi32, #tpu.memory_space<vmem>>, vector<16xi32>,
      %get3A_140 = vector.shape_cast %get3A_139 : vector<16xi32> to vector<16xi32>
      %mul3A_141 = arith.constant 2 : i32
      %mul3A_142 = vector.broadcast %mul3A_141 : i32 to vector<16xi32>
      %mul3A_143 = arith.muli %get3A_140, %mul3A_142 : vector<16xi32>
      %add3A_144 = vector.broadcast %arg0 : i32 to vector<16xi32>
      %add3A_145 = arith.addi %mul3A_143, %add3A_144 : vector<16xi32>
      %swap3A = arith.index_cast %add3A_138 : i32 to index
      %swap3A_146 = tpu.vector_load %arg11[%swap3A] {strides = array<i32>} : memref<20000xi32, #tpu.memory_space<vmem>>, vector<16xi32>,
      %swap3A_147 = vector.shape_cast %swap3A_146 : vector<16xi32> to vector<16xi32>
      %swap3A_148 = vector.shape_cast %add3A_145 : vector<16xi32> to vector<16xi32>
      tpu.vector_store %arg11[%swap3A], %swap3A_148 {strides = array<i32>} : memref<20000xi32, #tpu.memory_space<vmem>>, vector<16xi32>,
      %add3A_149 = arith.constant 16 : i32
      %add3A_150 = arith.addi %mul3A_136, %add3A_149 : i32
      %get3A_151 = arith.index_cast %add3A_150 : i32 to index
      %get3A_152 = tpu.vector_load %arg11[%get3A_151] {strides = array<i32>} : memref<20000xi32, #tpu.memory_space<vmem>>, vector<16xi32>,
      %get3A_153 = vector.shape_cast %get3A_152 : vector<16xi32> to vector<16xi32>
      %mul3A_154 = arith.constant 2 : i32
      %mul3A_155 = vector.broadcast %mul3A_154 : i32 to vector<16xi32>
      %mul3A_156 = arith.muli %get3A_153, %mul3A_155 : vector<16xi32>
      %add3A_157 = vector.broadcast %arg0 : i32 to vector<16xi32>
      %add3A_158 = arith.addi %mul3A_156, %add3A_157 : vector<16xi32>
      %swap3A_159 = arith.index_cast %add3A_150 : i32 to index
      %swap3A_160 = tpu.vector_load %arg11[%swap3A_159] {strides = array<i32>} : memref<20000xi32, #tpu.memory_space<vmem>>, vector<16xi32>,
      %swap3A_161 = vector.shape_cast %swap3A_160 : vector<16xi32> to vector<16xi32>
      %swap3A_162 = vector.shape_cast %add3A_158 : vector<16xi32> to vector<16xi32>
      tpu.vector_store %arg11[%swap3A_159], %swap3A_162 {strides = array<i32>} : memref<20000xi32, #tpu.memory_space<vmem>>, vector<16xi32>,
      %add3A_163 = arith.constant 32 : i32
      %add3A_164 = arith.addi %mul3A_136, %add3A_163 : i32
      %get3A_165 = arith.index_cast %add3A_164 : i32 to index
      %get3A_166 = tpu.vector_load %arg11[%get3A_165] {strides = array<i32>} : memref<20000xi32, #tpu.memory_space<vmem>>, vector<16xi32>,
      %get3A_167 = vector.shape_cast %get3A_166 : vector<16xi32> to vector<16xi32>
      %mul3A_168 = arith.constant 2 : i32
      %mul3A_169 = vector.broadcast %mul3A_168 : i32 to vector<16xi32>
      %mul3A_170 = arith.muli %get3A_167, %mul3A_169 : vector<16xi32>
      %add3A_171 = vector.broadcast %arg0 : i32 to vector<16xi32>
      %add3A_172 = arith.addi %mul3A_170, %add3A_171 : vector<16xi32>
      %swap3A_173 = arith.index_cast %add3A_164 : i32 to index
      %swap3A_174 = tpu.vector_load %arg11[%swap3A_173] {strides = array<i32>} : memref<20000xi32, #tpu.memory_space<vmem>>, vector<16xi32>,
      %swap3A_175 = vector.shape_cast %swap3A_174 : vector<16xi32> to vector<16xi32>
      %swap3A_176 = vector.shape_cast %add3A_172 : vector<16xi32> to vector<16xi32>
      tpu.vector_store %arg11[%swap3A_173], %swap3A_176 {strides = array<i32>} : memref<20000xi32, #tpu.memory_space<vmem>>, vector<16xi32>,
      %add3A_177 = arith.constant 48 : i32
      %add3A_178 = arith.addi %mul3A_136, %add3A_177 : i32
      %get3A_179 = arith.index_cast %add3A_178 : i32 to index
      %get3A_180 = tpu.vector_load %arg11[%get3A_179] {strides = array<i32>} : memref<20000xi32, #tpu.memory_space<vmem>>, vector<16xi32>,
      %get3A_181 = vector.shape_cast %get3A_180 : vector<16xi32> to vector<16xi32>
      %mul3A_182 = arith.constant 2 : i32
      %mul3A_183 = vector.broadcast %mul3A_182 : i32 to vector<16xi32>
      %mul3A_184 = arith.muli %get3A_181, %mul3A_183 : vector<16xi32>
      %add3A_185 = vector.broadcast %arg0 : i32 to vector<16xi32>
      %add3A_186 = arith.addi %mul3A_184, %add3A_185 : vector<16xi32>
      %swap3A_187 = arith.index_cast %add3A_178 : i32 to index
      %swap3A_188 = tpu.vector_load %arg11[%swap3A_187] {strides = array<i32>} : memref<20000xi32, #tpu.memory_space<vmem>>, vector<16xi32>,
      %swap3A_189 = vector.shape_cast %swap3A_188 : vector<16xi32> to vector<16xi32>
      %swap3A_190 = vector.shape_cast %add3A_186 : vector<16xi32> to vector<16xi32>
      tpu.vector_store %arg11[%swap3A_187], %swap3A_190 {strides = array<i32>} : memref<20000xi32, #tpu.memory_space<vmem>>, vector<16xi32>,
      %add3A_191 = arith.constant 64 : i32
      %add3A_192 = arith.addi %mul3A_136, %add3A_191 : i32
      %get3A_193 = arith.index_cast %add3A_192 : i32 to index
      %get3A_194 = tpu.vector_load %arg11[%get3A_193] {strides = array<i32>} : memref<20000xi32, #tpu.memory_space<vmem>>, vector<16xi32>,
      %get3A_195 = vector.shape_cast %get3A_194 : vector<16xi32> to vector<16xi32>
      %mul3A_196 = arith.constant 2 : i32
      %mul3A_197 = vector.broadcast %mul3A_196 : i32 to vector<16xi32>
      %mul3A_198 = arith.muli %get3A_195, %mul3A_197 : vector<16xi32>
      %add3A_199 = vector.broadcast %arg0 : i32 to vector<16xi32>
      %add3A_200 = arith.addi %mul3A_198, %add3A_199 : vector<16xi32>
      %swap3A_201 = arith.index_cast %add3A_192 : i32 to index
      %swap3A_202 = tpu.vector_load %arg11[%swap3A_201] {strides = array<i32>} : memref<20000xi32, #tpu.memory_space<vmem>>, vector<16xi32>,
      %swap3A_203 = vector.shape_cast %swap3A_202 : vector<16xi32> to vector<16xi32>
      %swap3A_204 = vector.shape_cast %add3A_200 : vector<16xi32> to vector<16xi32>
      tpu.vector_store %arg11[%swap3A_201], %swap3A_204 {strides = array<i32>} : memref<20000xi32, #tpu.memory_space<vmem>>, vector<16xi32>,
    }
    %scan3A_12 = arith.constant 250 : i32
    %barrier3A = arith.constant 0 : index
    tpu.barrier barrier_id(%barrier3A)
    %dma_start3A = arith.constant 0 : i32
    %dma_start3A_13 = arith.constant 0 : i32
    %dma_start3A_14 = arith.constant 0 : i32
    %dma_start3A_15 = arith.constant 0 : i32
    %dma_start3A_16 = tpu.memref_slice %arg13[%dma_start3A, %dma_start3A_14, %dma_start3A_15] : memref<3x80x96xf32, #tpu.memory_space<vmem>> -> memref<1x80x96xf32, #tpu.memory_space<vmem>>
    %dma_start3A_17 = tpu.memref_squeeze %dma_start3A_16 : memref<1x80x96xf32, #tpu.memory_space<vmem>> -> memref<80x96xf32, #tpu.memory_space<vmem>>
    %dma_start3A_18 = arith.constant 0 : i32
    %dma_start3A_19 = tpu.memref_slice %arg11[%dma_start3A_18] : memref<20000xi32, #tpu.memory_space<vmem>> -> memref<80xi32, #tpu.memory_space<vmem>>
    %dma_start3A_20 = arith.constant 0 : i32
    %dma_start3A_21 = arith.constant 0 : i32
    %dma_start3A_22 = tpu.memref_slice %arg2[%dma_start3A_20, %dma_start3A_21] : memref<20000x96xf32, #tpu.memory_space<hbm>> -> memref<20000x96xf32, #tpu.memory_space<hbm>>
    %dma_start3A_23 = tpu.memref_slice %arg15[%dma_start3A_13] : memref<3x!tpu.dma_semaphore, #tpu.memory_space<semaphore_mem>> -> memref<1x!tpu.dma_semaphore, #tpu.memory_space<semaphore_mem>>
    %dma_start3A_24 = tpu.memref_squeeze %dma_start3A_23 : memref<1x!tpu.dma_semaphore, #tpu.memory_space<semaphore_mem>> -> memref<!tpu.dma_semaphore, #tpu.memory_space<semaphore_mem>>
    tpu.enqueue_indirect_dma source(%dma_start3A_22 : memref<20000x96xf32, #tpu.memory_space<hbm>>) target(%dma_start3A_17 : memref<80x96xf32, #tpu.memory_space<vmem>>) offsets(%dma_start3A_19 : memref<80xi32, #tpu.memory_space<vmem>>) semaphore(%dma_start3A_24 : memref<!tpu.dma_semaphore, #tpu.memory_space<semaphore_mem>>)
    %dma_start3A_25 = arith.constant 1 : i32
    %dma_start3A_26 = arith.constant 1 : i32
    %dma_start3A_27 = arith.constant 0 : i32
    %dma_start3A_28 = arith.constant 0 : i32
    %dma_start3A_29 = tpu.memref_slice %arg13[%dma_start3A_25, %dma_start3A_27, %dma_start3A_28] : memref<3x80x96xf32, #tpu.memory_space<vmem>> -> memref<1x80x96xf32, #tpu.memory_space<vmem>>
    %dma_start3A_30 = tpu.memref_squeeze %dma_start3A_29 : memref<1x80x96xf32, #tpu.memory_space<vmem>> -> memref<80x96xf32, #tpu.memory_space<vmem>>
    %dma_start3A_31 = arith.constant 80 : i32
    %dma_start3A_32 = tpu.memref_slice %arg11[%dma_start3A_31] : memref<20000xi32, #tpu.memory_space<vmem>> -> memref<80xi32, #tpu.memory_space<vmem>>
    %dma_start3A_33 = arith.constant 0 : i32
    %dma_start3A_34 = arith.constant 0 : i32
    %dma_start3A_35 = tpu.memref_slice %arg2[%dma_start3A_33, %dma_start3A_34] : memref<20000x96xf32, #tpu.memory_space<hbm>> -> memref<20000x96xf32, #tpu.memory_space<hbm>>
    %dma_start3A_36 = tpu.memref_slice %arg15[%dma_start3A_26] : memref<3x!tpu.dma_semaphore, #tpu.memory_space<semaphore_mem>> -> memref<1x!tpu.dma_semaphore, #tpu.memory_space<semaphore_mem>>
    %dma_start3A_37 = tpu.memref_squeeze %dma_start3A_36 : memref<1x!tpu.dma_semaphore, #tpu.memory_space<semaphore_mem>> -> memref<!tpu.dma_semaphore, #tpu.memory_space<semaphore_mem>>
    tpu.enqueue_indirect_dma source(%dma_start3A_35 : memref<20000x96xf32, #tpu.memory_space<hbm>>) target(%dma_start3A_30 : memref<80x96xf32, #tpu.memory_space<vmem>>) offsets(%dma_start3A_32 : memref<80xi32, #tpu.memory_space<vmem>>) semaphore(%dma_start3A_37 : memref<!tpu.dma_semaphore, #tpu.memory_space<semaphore_mem>>)
    %scan3A_38 = arith.constant 0 : i32
    %scan3A_39 = arith.constant 0 : i32
    %scan3A_40 = arith.constant 83 : i32
    %scan3A_41 = arith.addi %scan3A_39, %scan3A_40 : i32
    %scan3A_42 = arith.constant 1 : i32
    scf.for %scan3A_134 = %scan3A_39 to %scan3A_41 step %scan3A_42  : i32 {
      %mul3A_135 = arith.constant 3 : i32
      %mul3A_136 = arith.muli %mul3A_135, %scan3A_134 : i32
      %add3A_137 = arith.constant 0 : i32
      %add3A_138 = arith.addi %mul3A_136, %add3A_137 : i32
      %mul3A_139 = arith.constant 80 : i32
      %mul3A_140 = arith.muli %add3A_138, %mul3A_139 : i32
      %dma_wait3A_141 = arith.constant 0 : i32
      %dma_wait3A_142 = arith.constant 0 : i32
      %dma_wait3A_143 = arith.constant 0 : i32
      %dma_wait3A_144 = arith.constant 0 : i32
      %dma_wait3A_145 = tpu.memref_slice %arg13[%dma_wait3A_141, %dma_wait3A_143, %dma_wait3A_144] : memref<3x80x96xf32, #tpu.memory_space<vmem>> -> memref<1x80x96xf32, #tpu.memory_space<vmem>>
      %dma_wait3A_146 = tpu.memref_squeeze %dma_wait3A_145 : memref<1x80x96xf32, #tpu.memory_space<vmem>> -> memref<80x96xf32, #tpu.memory_space<vmem>>
      %dma_wait3A_147 = tpu.memref_slice %arg11[%mul3A_140] : memref<20000xi32, #tpu.memory_space<vmem>> -> memref<80xi32, #tpu.memory_space<vmem>>
      %dma_wait3A_148 = arith.constant 0 : i32
      %dma_wait3A_149 = arith.constant 0 : i32
      %dma_wait3A_150 = tpu.memref_slice %arg2[%dma_wait3A_148, %dma_wait3A_149] : memref<20000x96xf32, #tpu.memory_space<hbm>> -> memref<20000x96xf32, #tpu.memory_space<hbm>>
      %dma_wait3A_151 = tpu.memref_slice %arg15[%dma_wait3A_142] : memref<3x!tpu.dma_semaphore, #tpu.memory_space<semaphore_mem>> -> memref<1x!tpu.dma_semaphore, #tpu.memory_space<semaphore_mem>>
      %dma_wait3A_152 = tpu.memref_squeeze %dma_wait3A_151 : memref<1x!tpu.dma_semaphore, #tpu.memory_space<semaphore_mem>> -> memref<!tpu.dma_semaphore, #tpu.memory_space<semaphore_mem>>
      tpu.wait_indirect_dma semaphore(%dma_wait3A_152 : memref<!tpu.dma_semaphore, #tpu.memory_space<semaphore_mem>>) src(%dma_wait3A_150 : memref<20000x96xf32, #tpu.memory_space<hbm>>) dst(%dma_wait3A_146 : memref<80x96xf32, #tpu.memory_space<vmem>>)
      %mul3A_153 = arith.constant 80 : i32
      %mul3A_154 = arith.muli %add3A_138, %mul3A_153 : i32
      %dma_start3A_155 = arith.constant 0 : i32
      %dma_start3A_156 = arith.constant 0 : i32
      %dma_start3A_157 = arith.constant 0 : i32
      %dma_start3A_158 = arith.constant 0 : i32
      %dma_start3A_159 = tpu.memref_slice %arg13[%dma_start3A_155, %dma_start3A_157, %dma_start3A_158] : memref<3x80x96xf32, #tpu.memory_space<vmem>> -> memref<1x80x96xf32, #tpu.memory_space<vmem>>
      %dma_start3A_160 = tpu.memref_squeeze %dma_start3A_159 : memref<1x80x96xf32, #tpu.memory_space<vmem>> -> memref<80x96xf32, #tpu.memory_space<vmem>>
      %dma_start3A_161 = tpu.memref_slice %arg12[%mul3A_154] : memref<20000xi32, #tpu.memory_space<vmem>> -> memref<80xi32, #tpu.memory_space<vmem>>
      %dma_start3A_162 = arith.constant 0 : i32
      %dma_start3A_163 = arith.constant 0 : i32
      %dma_start3A_164 = tpu.memref_slice %arg9[%dma_start3A_162, %dma_start3A_163] : memref<10240x96xf32, #tpu.memory_space<vmem_shared>> -> memref<10240x96xf32, #tpu.memory_space<vmem_shared>>
      %dma_start3A_165 = tpu.memref_slice %arg16[%dma_start3A_156] : memref<3x!tpu.dma_semaphore, #tpu.memory_space<semaphore_mem>> -> memref<1x!tpu.dma_semaphore, #tpu.memory_space<semaphore_mem>>
      %dma_start3A_166 = tpu.memref_squeeze %dma_start3A_165 : memref<1x!tpu.dma_semaphore, #tpu.memory_space<semaphore_mem>> -> memref<!tpu.dma_semaphore, #tpu.memory_space<semaphore_mem>>
      tpu.enqueue_indirect_dma source(%dma_start3A_160 : memref<80x96xf32, #tpu.memory_space<vmem>>) target(%dma_start3A_164 : memref<10240x96xf32, #tpu.memory_space<vmem_shared>>) offsets(%dma_start3A_161 : memref<80xi32, #tpu.memory_space<vmem>>) semaphore(%dma_start3A_166 : memref<!tpu.dma_semaphore, #tpu.memory_space<semaphore_mem>>) {add = true}
      %add3A_167 = arith.constant 2 : i32
      %add3A_168 = arith.addi %add3A_138, %add3A_167 : i32
      %lt3A = arith.constant 250 : i32
      %lt3A_169 = arith.cmpi slt, %add3A_168, %lt3A : i32
      %convert_element_type3A_170 = arith.extui %lt3A_169 : i1 to i32
      %cond3A_171 = arith.constant 0 : i32
      %cond3A_172 = arith.cmpi ne, %convert_element_type3A_170, %cond3A_171 : i32
      scf.if %cond3A_172 {
        %ge3A_292 = arith.constant 3 : i32
        %ge3A_293 = arith.cmpi sge, %add3A_168, %ge3A_292 : i32
        %convert_element_type3A_294 = arith.extui %ge3A_293 : i1 to i32
        %cond3A_295 = arith.constant 0 : i32
        %cond3A_296 = arith.cmpi ne, %convert_element_type3A_294, %cond3A_295 : i32
        scf.if %cond3A_296 {
          %mul3A_311 = arith.constant 80 : i32
          %mul3A_312 = arith.muli %add3A_138, %mul3A_311 : i32
          %dma_wait3A_313 = arith.constant 2 : i32
          %dma_wait3A_314 = arith.constant 2 : i32
          %dma_wait3A_315 = arith.constant 0 : i32
          %dma_wait3A_316 = arith.constant 0 : i32
          %dma_wait3A_317 = tpu.memref_slice %arg13[%dma_wait3A_313, %dma_wait3A_315, %dma_wait3A_316] : memref<3x80x96xf32, #tpu.memory_space<vmem>> -> memref<1x80x96xf32, #tpu.memory_space<vmem>>
          %dma_wait3A_318 = tpu.memref_squeeze %dma_wait3A_317 : memref<1x80x96xf32, #tpu.memory_space<vmem>> -> memref<80x96xf32, #tpu.memory_space<vmem>>
          %dma_wait3A_319 = tpu.memref_slice %arg12[%mul3A_312] : memref<20000xi32, #tpu.memory_space<vmem>> -> memref<80xi32, #tpu.memory_space<vmem>>
          %dma_wait3A_320 = arith.constant 0 : i32
          %dma_wait3A_321 = arith.constant 0 : i32
          %dma_wait3A_322 = tpu.memref_slice %arg9[%dma_wait3A_320, %dma_wait3A_321] : memref<10240x96xf32, #tpu.memory_space<vmem_shared>> -> memref<10240x96xf32, #tpu.memory_space<vmem_shared>>
          %dma_wait3A_323 = tpu.memref_slice %arg16[%dma_wait3A_314] : memref<3x!tpu.dma_semaphore, #tpu.memory_space<semaphore_mem>> -> memref<1x!tpu.dma_semaphore, #tpu.memory_space<semaphore_mem>>
          %dma_wait3A_324 = tpu.memref_squeeze %dma_wait3A_323 : memref<1x!tpu.dma_semaphore, #tpu.memory_space<semaphore_mem>> -> memref<!tpu.dma_semaphore, #tpu.memory_space<semaphore_mem>>
          tpu.wait_indirect_dma semaphore(%dma_wait3A_324 : memref<!tpu.dma_semaphore, #tpu.memory_space<semaphore_mem>>) src(%dma_wait3A_318 : memref<80x96xf32, #tpu.memory_space<vmem>>) dst(%dma_wait3A_322 : memref<10240x96xf32, #tpu.memory_space<vmem_shared>>)
        } else {
        }
        %mul3A_297 = arith.constant 80 : i32
        %mul3A_298 = arith.muli %add3A_168, %mul3A_297 : i32
        %dma_start3A_299 = arith.constant 2 : i32
        %dma_start3A_300 = arith.constant 2 : i32
        %dma_start3A_301 = arith.constant 0 : i32
        %dma_start3A_302 = arith.constant 0 : i32
        %dma_start3A_303 = tpu.memref_slice %arg13[%dma_start3A_299, %dma_start3A_301, %dma_start3A_302] : memref<3x80x96xf32, #tpu.memory_space<vmem>> -> memref<1x80x96xf32, #tpu.memory_space<vmem>>
        %dma_start3A_304 = tpu.memref_squeeze %dma_start3A_303 : memref<1x80x96xf32, #tpu.memory_space<vmem>> -> memref<80x96xf32, #tpu.memory_space<vmem>>
        %dma_start3A_305 = tpu.memref_slice %arg11[%mul3A_298] : memref<20000xi32, #tpu.memory_space<vmem>> -> memref<80xi32, #tpu.memory_space<vmem>>
        %dma_start3A_306 = arith.constant 0 : i32
        %dma_start3A_307 = arith.constant 0 : i32
        %dma_start3A_308 = tpu.memref_slice %arg2[%dma_start3A_306, %dma_start3A_307] : memref<20000x96xf32, #tpu.memory_space<hbm>> -> memref<20000x96xf32, #tpu.memory_space<hbm>>
        %dma_start3A_309 = tpu.memref_slice %arg15[%dma_start3A_300] : memref<3x!tpu.dma_semaphore, #tpu.memory_space<semaphore_mem>> -> memref<1x!tpu.dma_semaphore, #tpu.memory_space<semaphore_mem>>
        %dma_start3A_310 = tpu.memref_squeeze %dma_start3A_309 : memref<1x!tpu.dma_semaphore, #tpu.memory_space<semaphore_mem>> -> memref<!tpu.dma_semaphore, #tpu.memory_space<semaphore_mem>>
        tpu.enqueue_indirect_dma source(%dma_start3A_308 : memref<20000x96xf32, #tpu.memory_space<hbm>>) target(%dma_start3A_304 : memref<80x96xf32, #tpu.memory_space<vmem>>) offsets(%dma_start3A_305 : memref<80xi32, #tpu.memory_space<vmem>>) semaphore(%dma_start3A_310 : memref<!tpu.dma_semaphore, #tpu.memory_space<semaphore_mem>>)
      } else {
      }
      %eq3A_173 = arith.constant 0 : i32
      %eq3A_174 = arith.cmpi eq, %arg0, %eq3A_173 : i32
      %lt3A_175 = arith.constant 125 : i32
      %lt3A_176 = arith.cmpi slt, %add3A_138, %lt3A_175 : i32
      %and3A_177 = arith.andi %eq3A_174, %lt3A_176 : i1
      %eq3A_178 = arith.constant 1 : i32
      %eq3A_179 = arith.cmpi eq, %arg0, %eq3A_178 : i32
      %ge3A = arith.constant 125 : i32
      %ge3A_180 = arith.cmpi sge, %add3A_138, %ge3A : i32
      %and3A_181 = arith.andi %eq3A_179, %ge3A_180 : i1
      %or3A_182 = arith.ori %and3A_177, %and3A_181 : i1
      %convert_element_type3A_183 = arith.extui %or3A_182 : i1 to i32
      %cond3A_184 = arith.constant 0 : i32
      %cond3A_185 = arith.cmpi ne, %convert_element_type3A_183, %cond3A_184 : i32
      scf.if %cond3A_185 {
        %mul3A_292 = arith.constant 80 : i32
        %mul3A_293 = arith.muli %add3A_138, %mul3A_292 : i32
        %dma_start3A_294 = tpu.memref_slice %arg12[%mul3A_293] : memref<20000xi32, #tpu.memory_space<vmem>> -> memref<80xi32, #tpu.memory_space<vmem>>
        %dma_start3A_295 = arith.constant 0 : i32
        %dma_start3A_296 = tpu.memref_slice %arg10[%dma_start3A_295] : memref<10240xf32, #tpu.memory_space<vmem_shared>> -> memref<10240xf32, #tpu.memory_space<vmem_shared>>
        tpu.enqueue_indirect_dma source(%arg14 : memref<80xf32, #tpu.memory_space<vmem>>) target(%dma_start3A_296 : memref<10240xf32, #tpu.memory_space<vmem_shared>>) offsets(%dma_start3A_294 : memref<80xi32, #tpu.memory_space<vmem>>) semaphore(%arg17 : memref<!tpu.dma_semaphore, #tpu.memory_space<semaphore_mem>>) {add = true}
      } else {
      }
      %mul3A_186 = arith.constant 3 : i32
      %mul3A_187 = arith.muli %mul3A_186, %scan3A_134 : i32
      %add3A_188 = arith.constant 1 : i32
      %add3A_189 = arith.addi %mul3A_187, %add3A_188 : i32
      %mul3A_190 = arith.constant 80 : i32
      %mul3A_191 = arith.muli %add3A_189, %mul3A_190 : i32
      %dma_wait3A_192 = arith.constant 1 : i32
      %dma_wait3A_193 = arith.constant 1 : i32
      %dma_wait3A_194 = arith.constant 0 : i32
      %dma_wait3A_195 = arith.constant 0 : i32
      %dma_wait3A_196 = tpu.memref_slice %arg13[%dma_wait3A_192, %dma_wait3A_194, %dma_wait3A_195] : memref<3x80x96xf32, #tpu.memory_space<vmem>> -> memref<1x80x96xf32, #tpu.memory_space<vmem>>
      %dma_wait3A_197 = tpu.memref_squeeze %dma_wait3A_196 : memref<1x80x96xf32, #tpu.memory_space<vmem>> -> memref<80x96xf32, #tpu.memory_space<vmem>>
      %dma_wait3A_198 = tpu.memref_slice %arg11[%mul3A_191] : memref<20000xi32, #tpu.memory_space<vmem>> -> memref<80xi32, #tpu.memory_space<vmem>>
      %dma_wait3A_199 = arith.constant 0 : i32
      %dma_wait3A_200 = arith.constant 0 : i32
      %dma_wait3A_201 = tpu.memref_slice %arg2[%dma_wait3A_199, %dma_wait3A_200] : memref<20000x96xf32, #tpu.memory_space<hbm>> -> memref<20000x96xf32, #tpu.memory_space<hbm>>
      %dma_wait3A_202 = tpu.memref_slice %arg15[%dma_wait3A_193] : memref<3x!tpu.dma_semaphore, #tpu.memory_space<semaphore_mem>> -> memref<1x!tpu.dma_semaphore, #tpu.memory_space<semaphore_mem>>
      %dma_wait3A_203 = tpu.memref_squeeze %dma_wait3A_202 : memref<1x!tpu.dma_semaphore, #tpu.memory_space<semaphore_mem>> -> memref<!tpu.dma_semaphore, #tpu.memory_space<semaphore_mem>>
      tpu.wait_indirect_dma semaphore(%dma_wait3A_203 : memref<!tpu.dma_semaphore, #tpu.memory_space<semaphore_mem>>) src(%dma_wait3A_201 : memref<20000x96xf32, #tpu.memory_space<hbm>>) dst(%dma_wait3A_197 : memref<80x96xf32, #tpu.memory_space<vmem>>)
      %mul3A_204 = arith.constant 80 : i32
      %mul3A_205 = arith.muli %add3A_189, %mul3A_204 : i32
      %dma_start3A_206 = arith.constant 1 : i32
      %dma_start3A_207 = arith.constant 1 : i32
      %dma_start3A_208 = arith.constant 0 : i32
      %dma_start3A_209 = arith.constant 0 : i32
      %dma_start3A_210 = tpu.memref_slice %arg13[%dma_start3A_206, %dma_start3A_208, %dma_start3A_209] : memref<3x80x96xf32, #tpu.memory_space<vmem>> -> memref<1x80x96xf32, #tpu.memory_space<vmem>>
      %dma_start3A_211 = tpu.memref_squeeze %dma_start3A_210 : memref<1x80x96xf32, #tpu.memory_space<vmem>> -> memref<80x96xf32, #tpu.memory_space<vmem>>
      %dma_start3A_212 = tpu.memref_slice %arg12[%mul3A_205] : memref<20000xi32, #tpu.memory_space<vmem>> -> memref<80xi32, #tpu.memory_space<vmem>>
      %dma_start3A_213 = arith.constant 0 : i32
      %dma_start3A_214 = arith.constant 0 : i32
      %dma_start3A_215 = tpu.memref_slice %arg9[%dma_start3A_213, %dma_start3A_214] : memref<10240x96xf32, #tpu.memory_space<vmem_shared>> -> memref<10240x96xf32, #tpu.memory_space<vmem_shared>>
      %dma_start3A_216 = tpu.memref_slice %arg16[%dma_start3A_207] : memref<3x!tpu.dma_semaphore, #tpu.memory_space<semaphore_mem>> -> memref<1x!tpu.dma_semaphore, #tpu.memory_space<semaphore_mem>>
      %dma_start3A_217 = tpu.memref_squeeze %dma_start3A_216 : memref<1x!tpu.dma_semaphore, #tpu.memory_space<semaphore_mem>> -> memref<!tpu.dma_semaphore, #tpu.memory_space<semaphore_mem>>
      tpu.enqueue_indirect_dma source(%dma_start3A_211 : memref<80x96xf32, #tpu.memory_space<vmem>>) target(%dma_start3A_215 : memref<10240x96xf32, #tpu.memory_space<vmem_shared>>) offsets(%dma_start3A_212 : memref<80xi32, #tpu.memory_space<vmem>>) semaphore(%dma_start3A_217 : memref<!tpu.dma_semaphore, #tpu.memory_space<semaphore_mem>>) {add = true}
      %add3A_218 = arith.constant 2 : i32
      %add3A_219 = arith.addi %add3A_189, %add3A_218 : i32
      %lt3A_220 = arith.constant 250 : i32
      %lt3A_221 = arith.cmpi slt, %add3A_219, %lt3A_220 : i32
      %convert_element_type3A_222 = arith.extui %lt3A_221 : i1 to i32
      %cond3A_223 = arith.constant 0 : i32
      %cond3A_224 = arith.cmpi ne, %convert_element_type3A_222, %cond3A_223 : i32
      scf.if %cond3A_224 {
        %ge3A_292 = arith.constant 3 : i32
        %ge3A_293 = arith.cmpi sge, %add3A_219, %ge3A_292 : i32
        %convert_element_type3A_294 = arith.extui %ge3A_293 : i1 to i32
        %cond3A_295 = arith.constant 0 : i32
        %cond3A_296 = arith.cmpi ne, %convert_element_type3A_294, %cond3A_295 : i32
        scf.if %cond3A_296 {
          %mul3A_311 = arith.constant 80 : i32
          %mul3A_312 = arith.muli %add3A_189, %mul3A_311 : i32
          %dma_wait3A_313 = arith.constant 0 : i32
          %dma_wait3A_314 = arith.constant 0 : i32
          %dma_wait3A_315 = arith.constant 0 : i32
          %dma_wait3A_316 = arith.constant 0 : i32
          %dma_wait3A_317 = tpu.memref_slice %arg13[%dma_wait3A_313, %dma_wait3A_315, %dma_wait3A_316] : memref<3x80x96xf32, #tpu.memory_space<vmem>> -> memref<1x80x96xf32, #tpu.memory_space<vmem>>
          %dma_wait3A_318 = tpu.memref_squeeze %dma_wait3A_317 : memref<1x80x96xf32, #tpu.memory_space<vmem>> -> memref<80x96xf32, #tpu.memory_space<vmem>>
          %dma_wait3A_319 = tpu.memref_slice %arg12[%mul3A_312] : memref<20000xi32, #tpu.memory_space<vmem>> -> memref<80xi32, #tpu.memory_space<vmem>>
          %dma_wait3A_320 = arith.constant 0 : i32
          %dma_wait3A_321 = arith.constant 0 : i32
          %dma_wait3A_322 = tpu.memref_slice %arg9[%dma_wait3A_320, %dma_wait3A_321] : memref<10240x96xf32, #tpu.memory_space<vmem_shared>> -> memref<10240x96xf32, #tpu.memory_space<vmem_shared>>
          %dma_wait3A_323 = tpu.memref_slice %arg16[%dma_wait3A_314] : memref<3x!tpu.dma_semaphore, #tpu.memory_space<semaphore_mem>> -> memref<1x!tpu.dma_semaphore, #tpu.memory_space<semaphore_mem>>
          %dma_wait3A_324 = tpu.memref_squeeze %dma_wait3A_323 : memref<1x!tpu.dma_semaphore, #tpu.memory_space<semaphore_mem>> -> memref<!tpu.dma_semaphore, #tpu.memory_space<semaphore_mem>>
          tpu.wait_indirect_dma semaphore(%dma_wait3A_324 : memref<!tpu.dma_semaphore, #tpu.memory_space<semaphore_mem>>) src(%dma_wait3A_318 : memref<80x96xf32, #tpu.memory_space<vmem>>) dst(%dma_wait3A_322 : memref<10240x96xf32, #tpu.memory_space<vmem_shared>>)
        } else {
        }
        %mul3A_297 = arith.constant 80 : i32
        %mul3A_298 = arith.muli %add3A_219, %mul3A_297 : i32
        %dma_start3A_299 = arith.constant 0 : i32
        %dma_start3A_300 = arith.constant 0 : i32
        %dma_start3A_301 = arith.constant 0 : i32
        %dma_start3A_302 = arith.constant 0 : i32
        %dma_start3A_303 = tpu.memref_slice %arg13[%dma_start3A_299, %dma_start3A_301, %dma_start3A_302] : memref<3x80x96xf32, #tpu.memory_space<vmem>> -> memref<1x80x96xf32, #tpu.memory_space<vmem>>
        %dma_start3A_304 = tpu.memref_squeeze %dma_start3A_303 : memref<1x80x96xf32, #tpu.memory_space<vmem>> -> memref<80x96xf32, #tpu.memory_space<vmem>>
        %dma_start3A_305 = tpu.memref_slice %arg11[%mul3A_298] : memref<20000xi32, #tpu.memory_space<vmem>> -> memref<80xi32, #tpu.memory_space<vmem>>
        %dma_start3A_306 = arith.constant 0 : i32
        %dma_start3A_307 = arith.constant 0 : i32
        %dma_start3A_308 = tpu.memref_slice %arg2[%dma_start3A_306, %dma_start3A_307] : memref<20000x96xf32, #tpu.memory_space<hbm>> -> memref<20000x96xf32, #tpu.memory_space<hbm>>
        %dma_start3A_309 = tpu.memref_slice %arg15[%dma_start3A_300] : memref<3x!tpu.dma_semaphore, #tpu.memory_space<semaphore_mem>> -> memref<1x!tpu.dma_semaphore, #tpu.memory_space<semaphore_mem>>
        %dma_start3A_310 = tpu.memref_squeeze %dma_start3A_309 : memref<1x!tpu.dma_semaphore, #tpu.memory_space<semaphore_mem>> -> memref<!tpu.dma_semaphore, #tpu.memory_space<semaphore_mem>>
        tpu.enqueue_indirect_dma source(%dma_start3A_308 : memref<20000x96xf32, #tpu.memory_space<hbm>>) target(%dma_start3A_304 : memref<80x96xf32, #tpu.memory_space<vmem>>) offsets(%dma_start3A_305 : memref<80xi32, #tpu.memory_space<vmem>>) semaphore(%dma_start3A_310 : memref<!tpu.dma_semaphore, #tpu.memory_space<semaphore_mem>>)
      } else {
      }
      %eq3A_225 = arith.constant 0 : i32
      %eq3A_226 = arith.cmpi eq, %arg0, %eq3A_225 : i32
      %lt3A_227 = arith.constant 125 : i32
      %lt3A_228 = arith.cmpi slt, %add3A_189, %lt3A_227 : i32
      %and3A_229 = arith.andi %eq3A_226, %lt3A_228 : i1
      %eq3A_230 = arith.constant 1 : i32
      %eq3A_231 = arith.cmpi eq, %arg0, %eq3A_230 : i32
      %ge3A_232 = arith.constant 125 : i32
      %ge3A_233 = arith.cmpi sge, %add3A_189, %ge3A_232 : i32
      %and3A_234 = arith.andi %eq3A_231, %ge3A_233 : i1
      %or3A_235 = arith.ori %and3A_229, %and3A_234 : i1
      %convert_element_type3A_236 = arith.extui %or3A_235 : i1 to i32
      %cond3A_237 = arith.constant 0 : i32
      %cond3A_238 = arith.cmpi ne, %convert_element_type3A_236, %cond3A_237 : i32
      scf.if %cond3A_238 {
        %mul3A_292 = arith.constant 80 : i32
        %mul3A_293 = arith.muli %add3A_189, %mul3A_292 : i32
        %dma_start3A_294 = tpu.memref_slice %arg12[%mul3A_293] : memref<20000xi32, #tpu.memory_space<vmem>> -> memref<80xi32, #tpu.memory_space<vmem>>
        %dma_start3A_295 = arith.constant 0 : i32
        %dma_start3A_296 = tpu.memref_slice %arg10[%dma_start3A_295] : memref<10240xf32, #tpu.memory_space<vmem_shared>> -> memref<10240xf32, #tpu.memory_space<vmem_shared>>
        tpu.enqueue_indirect_dma source(%arg14 : memref<80xf32, #tpu.memory_space<vmem>>) target(%dma_start3A_296 : memref<10240xf32, #tpu.memory_space<vmem_shared>>) offsets(%dma_start3A_294 : memref<80xi32, #tpu.memory_space<vmem>>) semaphore(%arg17 : memref<!tpu.dma_semaphore, #tpu.memory_space<semaphore_mem>>) {add = true}
      } else {
      }
      %mul3A_239 = arith.constant 3 : i32
      %mul3A_240 = arith.muli %mul3A_239, %scan3A_134 : i32
      %add3A_241 = arith.constant 2 : i32
      %add3A_242 = arith.addi %mul3A_240, %add3A_241 : i32
      %mul3A_243 = arith.constant 80 : i32
      %mul3A_244 = arith.muli %add3A_242, %mul3A_243 : i32
      %dma_wait3A_245 = arith.constant 2 : i32
      %dma_wait3A_246 = arith.constant 2 : i32
      %dma_wait3A_247 = arith.constant 0 : i32
      %dma_wait3A_248 = arith.constant 0 : i32
      %dma_wait3A_249 = tpu.memref_slice %arg13[%dma_wait3A_245, %dma_wait3A_247, %dma_wait3A_248] : memref<3x80x96xf32, #tpu.memory_space<vmem>> -> memref<1x80x96xf32, #tpu.memory_space<vmem>>
      %dma_wait3A_250 = tpu.memref_squeeze %dma_wait3A_249 : memref<1x80x96xf32, #tpu.memory_space<vmem>> -> memref<80x96xf32, #tpu.memory_space<vmem>>
      %dma_wait3A_251 = tpu.memref_slice %arg11[%mul3A_244] : memref<20000xi32, #tpu.memory_space<vmem>> -> memref<80xi32, #tpu.memory_space<vmem>>
      %dma_wait3A_252 = arith.constant 0 : i32
      %dma_wait3A_253 = arith.constant 0 : i32
      %dma_wait3A_254 = tpu.memref_slice %arg2[%dma_wait3A_252, %dma_wait3A_253] : memref<20000x96xf32, #tpu.memory_space<hbm>> -> memref<20000x96xf32, #tpu.memory_space<hbm>>
      %dma_wait3A_255 = tpu.memref_slice %arg15[%dma_wait3A_246] : memref<3x!tpu.dma_semaphore, #tpu.memory_space<semaphore_mem>> -> memref<1x!tpu.dma_semaphore, #tpu.memory_space<semaphore_mem>>
      %dma_wait3A_256 = tpu.memref_squeeze %dma_wait3A_255 : memref<1x!tpu.dma_semaphore, #tpu.memory_space<semaphore_mem>> -> memref<!tpu.dma_semaphore, #tpu.memory_space<semaphore_mem>>
      tpu.wait_indirect_dma semaphore(%dma_wait3A_256 : memref<!tpu.dma_semaphore, #tpu.memory_space<semaphore_mem>>) src(%dma_wait3A_254 : memref<20000x96xf32, #tpu.memory_space<hbm>>) dst(%dma_wait3A_250 : memref<80x96xf32, #tpu.memory_space<vmem>>)
      %mul3A_257 = arith.constant 80 : i32
      %mul3A_258 = arith.muli %add3A_242, %mul3A_257 : i32
      %dma_start3A_259 = arith.constant 2 : i32
      %dma_start3A_260 = arith.constant 2 : i32
      %dma_start3A_261 = arith.constant 0 : i32
      %dma_start3A_262 = arith.constant 0 : i32
      %dma_start3A_263 = tpu.memref_slice %arg13[%dma_start3A_259, %dma_start3A_261, %dma_start3A_262] : memref<3x80x96xf32, #tpu.memory_space<vmem>> -> memref<1x80x96xf32, #tpu.memory_space<vmem>>
      %dma_start3A_264 = tpu.memref_squeeze %dma_start3A_263 : memref<1x80x96xf32, #tpu.memory_space<vmem>> -> memref<80x96xf32, #tpu.memory_space<vmem>>
      %dma_start3A_265 = tpu.memref_slice %arg12[%mul3A_258] : memref<20000xi32, #tpu.memory_space<vmem>> -> memref<80xi32, #tpu.memory_space<vmem>>
      %dma_start3A_266 = arith.constant 0 : i32
      %dma_start3A_267 = arith.constant 0 : i32
      %dma_start3A_268 = tpu.memref_slice %arg9[%dma_start3A_266, %dma_start3A_267] : memref<10240x96xf32, #tpu.memory_space<vmem_shared>> -> memref<10240x96xf32, #tpu.memory_space<vmem_shared>>
      %dma_start3A_269 = tpu.memref_slice %arg16[%dma_start3A_260] : memref<3x!tpu.dma_semaphore, #tpu.memory_space<semaphore_mem>> -> memref<1x!tpu.dma_semaphore, #tpu.memory_space<semaphore_mem>>
      %dma_start3A_270 = tpu.memref_squeeze %dma_start3A_269 : memref<1x!tpu.dma_semaphore, #tpu.memory_space<semaphore_mem>> -> memref<!tpu.dma_semaphore, #tpu.memory_space<semaphore_mem>>
      tpu.enqueue_indirect_dma source(%dma_start3A_264 : memref<80x96xf32, #tpu.memory_space<vmem>>) target(%dma_start3A_268 : memref<10240x96xf32, #tpu.memory_space<vmem_shared>>) offsets(%dma_start3A_265 : memref<80xi32, #tpu.memory_space<vmem>>) semaphore(%dma_start3A_270 : memref<!tpu.dma_semaphore, #tpu.memory_space<semaphore_mem>>) {add = true}
      %add3A_271 = arith.constant 2 : i32
      %add3A_272 = arith.addi %add3A_242, %add3A_271 : i32
      %lt3A_273 = arith.constant 250 : i32
      %lt3A_274 = arith.cmpi slt, %add3A_272, %lt3A_273 : i32
      %convert_element_type3A_275 = arith.extui %lt3A_274 : i1 to i32
      %cond3A_276 = arith.constant 0 : i32
      %cond3A_277 = arith.cmpi ne, %convert_element_type3A_275, %cond3A_276 : i32
      scf.if %cond3A_277 {
        %ge3A_292 = arith.constant 3 : i32
        %ge3A_293 = arith.cmpi sge, %add3A_272, %ge3A_292 : i32
        %convert_element_type3A_294 = arith.extui %ge3A_293 : i1 to i32
        %cond3A_295 = arith.constant 0 : i32
        %cond3A_296 = arith.cmpi ne, %convert_element_type3A_294, %cond3A_295 : i32
        scf.if %cond3A_296 {
          %mul3A_311 = arith.constant 80 : i32
          %mul3A_312 = arith.muli %add3A_242, %mul3A_311 : i32
          %dma_wait3A_313 = arith.constant 1 : i32
          %dma_wait3A_314 = arith.constant 1 : i32
          %dma_wait3A_315 = arith.constant 0 : i32
          %dma_wait3A_316 = arith.constant 0 : i32
          %dma_wait3A_317 = tpu.memref_slice %arg13[%dma_wait3A_313, %dma_wait3A_315, %dma_wait3A_316] : memref<3x80x96xf32, #tpu.memory_space<vmem>> -> memref<1x80x96xf32, #tpu.memory_space<vmem>>
          %dma_wait3A_318 = tpu.memref_squeeze %dma_wait3A_317 : memref<1x80x96xf32, #tpu.memory_space<vmem>> -> memref<80x96xf32, #tpu.memory_space<vmem>>
          %dma_wait3A_319 = tpu.memref_slice %arg12[%mul3A_312] : memref<20000xi32, #tpu.memory_space<vmem>> -> memref<80xi32, #tpu.memory_space<vmem>>
          %dma_wait3A_320 = arith.constant 0 : i32
          %dma_wait3A_321 = arith.constant 0 : i32
          %dma_wait3A_322 = tpu.memref_slice %arg9[%dma_wait3A_320, %dma_wait3A_321] : memref<10240x96xf32, #tpu.memory_space<vmem_shared>> -> memref<10240x96xf32, #tpu.memory_space<vmem_shared>>
          %dma_wait3A_323 = tpu.memref_slice %arg16[%dma_wait3A_314] : memref<3x!tpu.dma_semaphore, #tpu.memory_space<semaphore_mem>> -> memref<1x!tpu.dma_semaphore, #tpu.memory_space<semaphore_mem>>
          %dma_wait3A_324 = tpu.memref_squeeze %dma_wait3A_323 : memref<1x!tpu.dma_semaphore, #tpu.memory_space<semaphore_mem>> -> memref<!tpu.dma_semaphore, #tpu.memory_space<semaphore_mem>>
          tpu.wait_indirect_dma semaphore(%dma_wait3A_324 : memref<!tpu.dma_semaphore, #tpu.memory_space<semaphore_mem>>) src(%dma_wait3A_318 : memref<80x96xf32, #tpu.memory_space<vmem>>) dst(%dma_wait3A_322 : memref<10240x96xf32, #tpu.memory_space<vmem_shared>>)
        } else {
        }
        %mul3A_297 = arith.constant 80 : i32
        %mul3A_298 = arith.muli %add3A_272, %mul3A_297 : i32
        %dma_start3A_299 = arith.constant 1 : i32
        %dma_start3A_300 = arith.constant 1 : i32
        %dma_start3A_301 = arith.constant 0 : i32
        %dma_start3A_302 = arith.constant 0 : i32
        %dma_start3A_303 = tpu.memref_slice %arg13[%dma_start3A_299, %dma_start3A_301, %dma_start3A_302] : memref<3x80x96xf32, #tpu.memory_space<vmem>> -> memref<1x80x96xf32, #tpu.memory_space<vmem>>
        %dma_start3A_304 = tpu.memref_squeeze %dma_start3A_303 : memref<1x80x96xf32, #tpu.memory_space<vmem>> -> memref<80x96xf32, #tpu.memory_space<vmem>>
        %dma_start3A_305 = tpu.memref_slice %arg11[%mul3A_298] : memref<20000xi32, #tpu.memory_space<vmem>> -> memref<80xi32, #tpu.memory_space<vmem>>
        %dma_start3A_306 = arith.constant 0 : i32
        %dma_start3A_307 = arith.constant 0 : i32
        %dma_start3A_308 = tpu.memref_slice %arg2[%dma_start3A_306, %dma_start3A_307] : memref<20000x96xf32, #tpu.memory_space<hbm>> -> memref<20000x96xf32, #tpu.memory_space<hbm>>
        %dma_start3A_309 = tpu.memref_slice %arg15[%dma_start3A_300] : memref<3x!tpu.dma_semaphore, #tpu.memory_space<semaphore_mem>> -> memref<1x!tpu.dma_semaphore, #tpu.memory_space<semaphore_mem>>
        %dma_start3A_310 = tpu.memref_squeeze %dma_start3A_309 : memref<1x!tpu.dma_semaphore, #tpu.memory_space<semaphore_mem>> -> memref<!tpu.dma_semaphore, #tpu.memory_space<semaphore_mem>>
        tpu.enqueue_indirect_dma source(%dma_start3A_308 : memref<20000x96xf32, #tpu.memory_space<hbm>>) target(%dma_start3A_304 : memref<80x96xf32, #tpu.memory_space<vmem>>) offsets(%dma_start3A_305 : memref<80xi32, #tpu.memory_space<vmem>>) semaphore(%dma_start3A_310 : memref<!tpu.dma_semaphore, #tpu.memory_space<semaphore_mem>>)
      } else {
      }
      %eq3A_278 = arith.constant 0 : i32
      %eq3A_279 = arith.cmpi eq, %arg0, %eq3A_278 : i32
      %lt3A_280 = arith.constant 125 : i32
      %lt3A_281 = arith.cmpi slt, %add3A_242, %lt3A_280 : i32
      %and3A_282 = arith.andi %eq3A_279, %lt3A_281 : i1
      %eq3A_283 = arith.constant 1 : i32
      %eq3A_284 = arith.cmpi eq, %arg0, %eq3A_283 : i32
      %ge3A_285 = arith.constant 125 : i32
      %ge3A_286 = arith.cmpi sge, %add3A_242, %ge3A_285 : i32
      %and3A_287 = arith.andi %eq3A_284, %ge3A_286 : i1
      %or3A_288 = arith.ori %and3A_282, %and3A_287 : i1
      %convert_element_type3A_289 = arith.extui %or3A_288 : i1 to i32
      %cond3A_290 = arith.constant 0 : i32
      %cond3A_291 = arith.cmpi ne, %convert_element_type3A_289, %cond3A_290 : i32
      scf.if %cond3A_291 {
        %mul3A_292 = arith.constant 80 : i32
        %mul3A_293 = arith.muli %add3A_242, %mul3A_292 : i32
        %dma_start3A_294 = tpu.memref_slice %arg12[%mul3A_293] : memref<20000xi32, #tpu.memory_space<vmem>> -> memref<80xi32, #tpu.memory_space<vmem>>
        %dma_start3A_295 = arith.constant 0 : i32
        %dma_start3A_296 = tpu.memref_slice %arg10[%dma_start3A_295] : memref<10240xf32, #tpu.memory_space<vmem_shared>> -> memref<10240xf32, #tpu.memory_space<vmem_shared>>
        tpu.enqueue_indirect_dma source(%arg14 : memref<80xf32, #tpu.memory_space<vmem>>) target(%dma_start3A_296 : memref<10240xf32, #tpu.memory_space<vmem_shared>>) offsets(%dma_start3A_294 : memref<80xi32, #tpu.memory_space<vmem>>) semaphore(%arg17 : memref<!tpu.dma_semaphore, #tpu.memory_space<semaphore_mem>>) {add = true}
      } else {
      }
    }
    %scan3A_43 = arith.constant 83 : i32
    %dma_wait3A = arith.constant 0 : i32
    %dma_wait3A_44 = arith.constant 0 : i32
    %dma_wait3A_45 = arith.constant 0 : i32
    %dma_wait3A_46 = arith.constant 0 : i32
    %dma_wait3A_47 = tpu.memref_slice %arg13[%dma_wait3A, %dma_wait3A_45, %dma_wait3A_46] : memref<3x80x96xf32, #tpu.memory_space<vmem>> -> memref<1x80x96xf32, #tpu.memory_space<vmem>>
    %dma_wait3A_48 = tpu.memref_squeeze %dma_wait3A_47 : memref<1x80x96xf32, #tpu.memory_space<vmem>> -> memref<80x96xf32, #tpu.memory_space<vmem>>
    %dma_wait3A_49 = arith.constant 19920 : i32
    %dma_wait3A_50 = tpu.memref_slice %arg11[%dma_wait3A_49] : memref<20000xi32, #tpu.memory_space<vmem>> -> memref<80xi32, #tpu.memory_space<vmem>>
    %dma_wait3A_51 = arith.constant 0 : i32
    %dma_wait3A_52 = arith.constant 0 : i32
    %dma_wait3A_53 = tpu.memref_slice %arg2[%dma_wait3A_51, %dma_wait3A_52] : memref<20000x96xf32, #tpu.memory_space<hbm>> -> memref<20000x96xf32, #tpu.memory_space<hbm>>
    %dma_wait3A_54 = tpu.memref_slice %arg15[%dma_wait3A_44] : memref<3x!tpu.dma_semaphore, #tpu.memory_space<semaphore_mem>> -> memref<1x!tpu.dma_semaphore, #tpu.memory_space<semaphore_mem>>
    %dma_wait3A_55 = tpu.memref_squeeze %dma_wait3A_54 : memref<1x!tpu.dma_semaphore, #tpu.memory_space<semaphore_mem>> -> memref<!tpu.dma_semaphore, #tpu.memory_space<semaphore_mem>>
    tpu.wait_indirect_dma semaphore(%dma_wait3A_55 : memref<!tpu.dma_semaphore, #tpu.memory_space<semaphore_mem>>) src(%dma_wait3A_53 : memref<20000x96xf32, #tpu.memory_space<hbm>>) dst(%dma_wait3A_48 : memref<80x96xf32, #tpu.memory_space<vmem>>)
    %dma_start3A_56 = arith.constant 0 : i32
    %dma_start3A_57 = arith.constant 0 : i32
    %dma_start3A_58 = arith.constant 0 : i32
    %dma_start3A_59 = arith.constant 0 : i32
    %dma_start3A_60 = tpu.memref_slice %arg13[%dma_start3A_56, %dma_start3A_58, %dma_start3A_59] : memref<3x80x96xf32, #tpu.memory_space<vmem>> -> memref<1x80x96xf32, #tpu.memory_space<vmem>>
    %dma_start3A_61 = tpu.memref_squeeze %dma_start3A_60 : memref<1x80x96xf32, #tpu.memory_space<vmem>> -> memref<80x96xf32, #tpu.memory_space<vmem>>
    %dma_start3A_62 = arith.constant 19920 : i32
    %dma_start3A_63 = tpu.memref_slice %arg12[%dma_start3A_62] : memref<20000xi32, #tpu.memory_space<vmem>> -> memref<80xi32, #tpu.memory_space<vmem>>
    %dma_start3A_64 = arith.constant 0 : i32
    %dma_start3A_65 = arith.constant 0 : i32
    %dma_start3A_66 = tpu.memref_slice %arg9[%dma_start3A_64, %dma_start3A_65] : memref<10240x96xf32, #tpu.memory_space<vmem_shared>> -> memref<10240x96xf32, #tpu.memory_space<vmem_shared>>
    %dma_start3A_67 = tpu.memref_slice %arg16[%dma_start3A_57] : memref<3x!tpu.dma_semaphore, #tpu.memory_space<semaphore_mem>> -> memref<1x!tpu.dma_semaphore, #tpu.memory_space<semaphore_mem>>
    %dma_start3A_68 = tpu.memref_squeeze %dma_start3A_67 : memref<1x!tpu.dma_semaphore, #tpu.memory_space<semaphore_mem>> -> memref<!tpu.dma_semaphore, #tpu.memory_space<semaphore_mem>>
    tpu.enqueue_indirect_dma source(%dma_start3A_61 : memref<80x96xf32, #tpu.memory_space<vmem>>) target(%dma_start3A_66 : memref<10240x96xf32, #tpu.memory_space<vmem_shared>>) offsets(%dma_start3A_63 : memref<80xi32, #tpu.memory_space<vmem>>) semaphore(%dma_start3A_68 : memref<!tpu.dma_semaphore, #tpu.memory_space<semaphore_mem>>) {add = true}
    %eq3A = arith.constant 0 : i32
    %eq3A_69 = arith.cmpi eq, %arg0, %eq3A : i32
    %and3A = arith.constant false
    %and3A_70 = arith.andi %eq3A_69, %and3A : i1
    %eq3A_71 = arith.constant 1 : i32
    %eq3A_72 = arith.cmpi eq, %arg0, %eq3A_71 : i32
    %and3A_73 = arith.constant true
    %and3A_74 = arith.andi %eq3A_72, %and3A_73 : i1
    %or3A = arith.ori %and3A_70, %and3A_74 : i1
    %convert_element_type3A = arith.extui %or3A : i1 to i32
    %cond3A = arith.constant 0 : i32
    %cond3A_75 = arith.cmpi ne, %convert_element_type3A, %cond3A : i32
    scf.if %cond3A_75 {
      %dma_start3A_134 = arith.constant 19920 : i32
      %dma_start3A_135 = tpu.memref_slice %arg12[%dma_start3A_134] : memref<20000xi32, #tpu.memory_space<vmem>> -> memref<80xi32, #tpu.memory_space<vmem>>
      %dma_start3A_136 = arith.constant 0 : i32
      %dma_start3A_137 = tpu.memref_slice %arg10[%dma_start3A_136] : memref<10240xf32, #tpu.memory_space<vmem_shared>> -> memref<10240xf32, #tpu.memory_space<vmem_shared>>
      tpu.enqueue_indirect_dma source(%arg14 : memref<80xf32, #tpu.memory_space<vmem>>) target(%dma_start3A_137 : memref<10240xf32, #tpu.memory_space<vmem_shared>>) offsets(%dma_start3A_135 : memref<80xi32, #tpu.memory_space<vmem>>) semaphore(%arg17 : memref<!tpu.dma_semaphore, #tpu.memory_space<semaphore_mem>>) {add = true}
    } else {
    }
    %dma_wait3A_76 = arith.constant 0 : i32
    %dma_wait3A_77 = arith.constant 0 : i32
    %dma_wait3A_78 = arith.constant 0 : i32
    %dma_wait3A_79 = arith.constant 0 : i32
    %dma_wait3A_80 = tpu.memref_slice %arg13[%dma_wait3A_76, %dma_wait3A_78, %dma_wait3A_79] : memref<3x80x96xf32, #tpu.memory_space<vmem>> -> memref<1x80x96xf32, #tpu.memory_space<vmem>>
    %dma_wait3A_81 = tpu.memref_squeeze %dma_wait3A_80 : memref<1x80x96xf32, #tpu.memory_space<vmem>> -> memref<80x96xf32, #tpu.memory_space<vmem>>
    %dma_wait3A_82 = arith.constant 0 : i32
    %dma_wait3A_83 = tpu.memref_slice %arg12[%dma_wait3A_82] : memref<20000xi32, #tpu.memory_space<vmem>> -> memref<80xi32, #tpu.memory_space<vmem>>
    %dma_wait3A_84 = arith.constant 0 : i32
    %dma_wait3A_85 = arith.constant 0 : i32
    %dma_wait3A_86 = tpu.memref_slice %arg9[%dma_wait3A_84, %dma_wait3A_85] : memref<10240x96xf32, #tpu.memory_space<vmem_shared>> -> memref<10240x96xf32, #tpu.memory_space<vmem_shared>>
    %dma_wait3A_87 = tpu.memref_slice %arg16[%dma_wait3A_77] : memref<3x!tpu.dma_semaphore, #tpu.memory_space<semaphore_mem>> -> memref<1x!tpu.dma_semaphore, #tpu.memory_space<semaphore_mem>>
    %dma_wait3A_88 = tpu.memref_squeeze %dma_wait3A_87 : memref<1x!tpu.dma_semaphore, #tpu.memory_space<semaphore_mem>> -> memref<!tpu.dma_semaphore, #tpu.memory_space<semaphore_mem>>
    tpu.wait_indirect_dma semaphore(%dma_wait3A_88 : memref<!tpu.dma_semaphore, #tpu.memory_space<semaphore_mem>>) src(%dma_wait3A_81 : memref<80x96xf32, #tpu.memory_space<vmem>>) dst(%dma_wait3A_86 : memref<10240x96xf32, #tpu.memory_space<vmem_shared>>)
    %dma_wait3A_89 = arith.constant 1 : i32
    %dma_wait3A_90 = arith.constant 1 : i32
    %dma_wait3A_91 = arith.constant 0 : i32
    %dma_wait3A_92 = arith.constant 0 : i32
    %dma_wait3A_93 = tpu.memref_slice %arg13[%dma_wait3A_89, %dma_wait3A_91, %dma_wait3A_92] : memref<3x80x96xf32, #tpu.memory_space<vmem>> -> memref<1x80x96xf32, #tpu.memory_space<vmem>>
    %dma_wait3A_94 = tpu.memref_squeeze %dma_wait3A_93 : memref<1x80x96xf32, #tpu.memory_space<vmem>> -> memref<80x96xf32, #tpu.memory_space<vmem>>
    %dma_wait3A_95 = arith.constant 0 : i32
    %dma_wait3A_96 = tpu.memref_slice %arg12[%dma_wait3A_95] : memref<20000xi32, #tpu.memory_space<vmem>> -> memref<80xi32, #tpu.memory_space<vmem>>
    %dma_wait3A_97 = arith.constant 0 : i32
    %dma_wait3A_98 = arith.constant 0 : i32
    %dma_wait3A_99 = tpu.memref_slice %arg9[%dma_wait3A_97, %dma_wait3A_98] : memref<10240x96xf32, #tpu.memory_space<vmem_shared>> -> memref<10240x96xf32, #tpu.memory_space<vmem_shared>>
    %dma_wait3A_100 = tpu.memref_slice %arg16[%dma_wait3A_90] : memref<3x!tpu.dma_semaphore, #tpu.memory_space<semaphore_mem>> -> memref<1x!tpu.dma_semaphore, #tpu.memory_space<semaphore_mem>>
    %dma_wait3A_101 = tpu.memref_squeeze %dma_wait3A_100 : memref<1x!tpu.dma_semaphore, #tpu.memory_space<semaphore_mem>> -> memref<!tpu.dma_semaphore, #tpu.memory_space<semaphore_mem>>
    tpu.wait_indirect_dma semaphore(%dma_wait3A_101 : memref<!tpu.dma_semaphore, #tpu.memory_space<semaphore_mem>>) src(%dma_wait3A_94 : memref<80x96xf32, #tpu.memory_space<vmem>>) dst(%dma_wait3A_99 : memref<10240x96xf32, #tpu.memory_space<vmem_shared>>)
    %dma_wait3A_102 = arith.constant 2 : i32
    %dma_wait3A_103 = arith.constant 2 : i32
    %dma_wait3A_104 = arith.constant 0 : i32
    %dma_wait3A_105 = arith.constant 0 : i32
    %dma_wait3A_106 = tpu.memref_slice %arg13[%dma_wait3A_102, %dma_wait3A_104, %dma_wait3A_105] : memref<3x80x96xf32, #tpu.memory_space<vmem>> -> memref<1x80x96xf32, #tpu.memory_space<vmem>>
    %dma_wait3A_107 = tpu.memref_squeeze %dma_wait3A_106 : memref<1x80x96xf32, #tpu.memory_space<vmem>> -> memref<80x96xf32, #tpu.memory_space<vmem>>
    %dma_wait3A_108 = arith.constant 0 : i32
    %dma_wait3A_109 = tpu.memref_slice %arg12[%dma_wait3A_108] : memref<20000xi32, #tpu.memory_space<vmem>> -> memref<80xi32, #tpu.memory_space<vmem>>
    %dma_wait3A_110 = arith.constant 0 : i32
    %dma_wait3A_111 = arith.constant 0 : i32
    %dma_wait3A_112 = tpu.memref_slice %arg9[%dma_wait3A_110, %dma_wait3A_111] : memref<10240x96xf32, #tpu.memory_space<vmem_shared>> -> memref<10240x96xf32, #tpu.memory_space<vmem_shared>>
    %dma_wait3A_113 = tpu.memref_slice %arg16[%dma_wait3A_103] : memref<3x!tpu.dma_semaphore, #tpu.memory_space<semaphore_mem>> -> memref<1x!tpu.dma_semaphore, #tpu.memory_space<semaphore_mem>>
    %dma_wait3A_114 = tpu.memref_squeeze %dma_wait3A_113 : memref<1x!tpu.dma_semaphore, #tpu.memory_space<semaphore_mem>> -> memref<!tpu.dma_semaphore, #tpu.memory_space<semaphore_mem>>
    tpu.wait_indirect_dma semaphore(%dma_wait3A_114 : memref<!tpu.dma_semaphore, #tpu.memory_space<semaphore_mem>>) src(%dma_wait3A_107 : memref<80x96xf32, #tpu.memory_space<vmem>>) dst(%dma_wait3A_112 : memref<10240x96xf32, #tpu.memory_space<vmem_shared>>)
    %scan3A_115 = arith.constant 0 : i32
    %scan3A_116 = arith.constant 0 : i32
    %scan3A_117 = arith.constant 125 : i32
    %scan3A_118 = arith.addi %scan3A_116, %scan3A_117 : i32
    %scan3A_119 = arith.constant 1 : i32
    scf.for %scan3A_134 = %scan3A_116 to %scan3A_118 step %scan3A_119  : i32 {
      %dma_wait3A_135 = arith.constant 0 : i32
      %dma_wait3A_136 = tpu.memref_slice %arg12[%dma_wait3A_135] : memref<20000xi32, #tpu.memory_space<vmem>> -> memref<80xi32, #tpu.memory_space<vmem>>
      %dma_wait3A_137 = arith.constant 0 : i32
      %dma_wait3A_138 = tpu.memref_slice %arg10[%dma_wait3A_137] : memref<10240xf32, #tpu.memory_space<vmem_shared>> -> memref<10240xf32, #tpu.memory_space<vmem_shared>>
      tpu.wait_indirect_dma semaphore(%arg17 : memref<!tpu.dma_semaphore, #tpu.memory_space<semaphore_mem>>) src(%arg14 : memref<80xf32, #tpu.memory_space<vmem>>) dst(%dma_wait3A_138 : memref<10240xf32, #tpu.memory_space<vmem_shared>>)
    }
    %scan3A_120 = arith.constant 125 : i32
    %barrier3A_121 = arith.constant 0 : index
    tpu.barrier barrier_id(%barrier3A_121)
    %mul3A_122 = arith.constant 640 : i32
    %mul3A_123 = arith.muli %arg1, %mul3A_122 : i32
    %mul3A_124 = arith.constant 640 : i32
    %mul3A_125 = arith.muli %arg1, %mul3A_124 : i32
    %mul3A_126 = arith.constant 96 : i32
    %mul3A_127 = arith.muli %arg0, %mul3A_126 : i32
    "tpu.region"() ({
      %run_scoped3A_134 = tpu.sem_alloc : memref<!tpu.dma_semaphore, #tpu.memory_space<semaphore_mem>>
      %dma_start3A_135 = tpu.memref_slice %arg7[%mul3A_125, %mul3A_127] : memref<10240x192xf32, #tpu.memory_space<hbm>> -> memref<640x96xf32, #tpu.memory_space<hbm>>
      %dma_start3A_136 = arith.constant 0 : i32
      %dma_start3A_137 = tpu.memref_slice %arg9[%mul3A_123, %dma_start3A_136] : memref<10240x96xf32, #tpu.memory_space<vmem_shared>> -> memref<640x96xf32, #tpu.memory_space<vmem_shared>>
      tpu.enqueue_dma source(%dma_start3A_137 : memref<640x96xf32, #tpu.memory_space<vmem_shared>>) target(%dma_start3A_135 : memref<640x96xf32, #tpu.memory_space<hbm>>) target_semaphore(%run_scoped3A_134 : memref<!tpu.dma_semaphore, #tpu.memory_space<semaphore_mem>>)
      %dma_wait3A_138 = tpu.memref_slice %arg7[%mul3A_125, %mul3A_127] : memref<10240x192xf32, #tpu.memory_space<hbm>> -> memref<640x96xf32, #tpu.memory_space<hbm>>
      %dma_wait3A_139 = arith.constant 0 : i32
      %dma_wait3A_140 = tpu.memref_slice %arg9[%mul3A_123, %dma_wait3A_139] : memref<10240x96xf32, #tpu.memory_space<vmem_shared>> -> memref<640x96xf32, #tpu.memory_space<vmem_shared>>
      tpu.wait_dma2 semaphore(%run_scoped3A_134 : memref<!tpu.dma_semaphore, #tpu.memory_space<semaphore_mem>>) src(%dma_wait3A_140 : memref<640x96xf32, #tpu.memory_space<vmem_shared>>) dst(%dma_wait3A_138 : memref<640x96xf32, #tpu.memory_space<hbm>>)
      tpu.yield
    }) : () -> ()
    %mul3A_128 = arith.constant 640 : i32
    %mul3A_129 = arith.muli %arg1, %mul3A_128 : i32
    %mul3A_130 = arith.constant 10240 : i32
    %mul3A_131 = arith.muli %arg0, %mul3A_130 : i32
    %mul3A_132 = arith.constant 640 : i32
    %mul3A_133 = arith.muli %arg1, %mul3A_132 : i32
    %add3A = arith.addi %mul3A_131, %mul3A_133 : i32
    "tpu.region"() ({
      %run_scoped3A_134 = tpu.sem_alloc : memref<!tpu.dma_semaphore, #tpu.memory_space<semaphore_mem>>
      %dma_start3A_135 = tpu.memref_slice %arg8[%add3A] : memref<20480xf32, #tpu.memory_space<hbm>> -> memref<640xf32, #tpu.memory_space<hbm>>
      %dma_start3A_136 = tpu.memref_slice %arg10[%mul3A_129] : memref<10240xf32, #tpu.memory_space<vmem_shared>> -> memref<640xf32, #tpu.memory_space<vmem_shared>>
      tpu.enqueue_dma source(%dma_start3A_136 : memref<640xf32, #tpu.memory_space<vmem_shared>>) target(%dma_start3A_135 : memref<640xf32, #tpu.memory_space<hbm>>) target_semaphore(%run_scoped3A_134 : memref<!tpu.dma_semaphore, #tpu.memory_space<semaphore_mem>>)
      %dma_wait3A_137 = tpu.memref_slice %arg8[%add3A] : memref<20480xf32, #tpu.memory_space<hbm>> -> memref<640xf32, #tpu.memory_space<hbm>>
      %dma_wait3A_138 = tpu.memref_slice %arg10[%mul3A_129] : memref<10240xf32, #tpu.memory_space<vmem_shared>> -> memref<640xf32, #tpu.memory_space<vmem_shared>>
      tpu.wait_dma2 semaphore(%run_scoped3A_134 : memref<!tpu.dma_semaphore, #tpu.memory_space<semaphore_mem>>) src(%dma_wait3A_138 : memref<640xf32, #tpu.memory_space<vmem_shared>>) dst(%dma_wait3A_137 : memref<640xf32, #tpu.memory_space<hbm>>)
      tpu.yield
    }) : () -> ()
    return
  }
}

module attributes {stable_mosaic.version = 14 : i64} {
  func.func @_final_body(%arg0: i32, %arg1: memref<1000x192xf32, #tpu.memory_space<vmem>>, %arg2: memref<1000x192xf32, #tpu.memory_space<vmem>>, %arg3: memref<1000x1xf32, #tpu.memory_space<vmem>>, %arg4: memref<1000x64xf32, #tpu.memory_space<vmem>>, %arg5: memref<3x64x64xf32, #tpu.memory_space<vmem>>, %arg6: memref<64x192xf32, #tpu.memory_space<vmem>>, %arg7: memref<1x192xf32, #tpu.memory_space<vmem>>, %arg8: memref<1000x192xf32, #tpu.memory_space<vmem>>) attributes {dimension_semantics = [#tpu.dimension_semantics<arbitrary>], iteration_bounds = array<i64: 10>, scalar_prefetch = 0 : i64, scratch_operands = 0 : i64, tpu.core_type = #tpu.core_type<tc>, window_params = [{transform_indices = @transform_0, window_bounds = array<i64: 1000, 192>}, {transform_indices = @transform_1, window_bounds = array<i64: 1000, 192>}, {transform_indices = @transform_2, window_bounds = array<i64: 1000, 1>}, {transform_indices = @transform_3, window_bounds = array<i64: 1000, 64>}, {pipeline_mode = #tpu.pipeline_mode<synchronous>, transform_indices = @transform_4, window_bounds = array<i64: 3, 64, 64>}, {pipeline_mode = #tpu.pipeline_mode<synchronous>, transform_indices = @transform_5, window_bounds = array<i64: 64, 192>}, {pipeline_mode = #tpu.pipeline_mode<synchronous>, transform_indices = @transform_6, window_bounds = array<i64: 1, 192>}, {transform_indices = @transform_7, window_bounds = array<i64: 1000, 192>}]} {
    %get3A = arith.constant 0 : index
    %get3A_0 = arith.constant 0 : index
    %get3A_1 = vector.load %arg3[%get3A, %get3A_0] : memref<1000x1xf32, #tpu.memory_space<vmem>>, vector<1000x1xf32>
    %gt3A = arith.constant 0.000000e+00 : f32
    %gt3A_2 = vector.broadcast %gt3A : f32 to vector<1000x1xf32>
    %gt3A_3 = arith.cmpf ogt, %get3A_1, %gt3A_2 : vector<1000x1xf32>
    %get3A_4 = arith.constant 0 : index
    %get3A_5 = arith.constant 0 : index
    %get3A_6 = vector.load %arg1[%get3A_4, %get3A_5] : memref<1000x192xf32, #tpu.memory_space<vmem>>, vector<1000x192xf32>
    %get3A_7 = arith.constant 0 : index
    %get3A_8 = arith.constant 0 : index
    %get3A_9 = vector.load %arg2[%get3A_7, %get3A_8] : memref<1000x192xf32, #tpu.memory_space<vmem>>, vector<1000x192xf32>
    %max3A = arith.constant 1.000000e+00 : f32
    %max3A_10 = vector.broadcast %max3A : f32 to vector<1000x1xf32>
    %max3A_11 = arith.maximumf %get3A_1, %max3A_10 : vector<1000x1xf32>
    %div3A = vector.broadcast %max3A_11 : vector<1000x1xf32> to vector<1000x192xf32>
    %div3A_12 = arith.divf %get3A_9, %div3A : vector<1000x192xf32>
    %sub3A = arith.subf %get3A_6, %div3A_12 : vector<1000x192xf32>
    %jit3A = arith.constant 0.000000e+00 : f32
    %broadcast_in_dim3A = vector.shape_cast %gt3A_3 : vector<1000x1xi1> to vector<1000x1xi1>
    %broadcast_in_dim3A_13 = vector.broadcast %broadcast_in_dim3A : vector<1000x1xi1> to vector<1000x192xi1>
    %broadcast_in_dim3A_14 = vector.broadcast %jit3A : f32 to vector<1000x192xf32>
    %select_n3A = arith.select %broadcast_in_dim3A_13, %sub3A, %broadcast_in_dim3A_14 : vector<1000x192xi1>, vector<1000x192xf32>
    %slice3A = vector.extract_strided_slice %select_n3A {offsets = [0, 0], sizes = [1000, 64], strides = [1, 1]} : vector<1000x192xf32> to vector<1000x64xf32>
    %get3A_15 = arith.constant 0 : index
    %get3A_16 = arith.constant 0 : index
    %get3A_17 = arith.constant 0 : index
    %get3A_18 = vector.load %arg5[%get3A_15, %get3A_16, %get3A_17] : memref<3x64x64xf32, #tpu.memory_space<vmem>>, vector<1x64x64xf32>
    %get3A_19 = vector.shape_cast %get3A_18 : vector<1x64x64xf32> to vector<64x64xf32>
    %dot_general3A = arith.constant dense<0.000000e+00> : vector<1000x64xf32>
    %dot_general3A_20 = tpu.matmul %slice3A, %get3A_19, %dot_general3A {dimension_numbers = #tpu.dot_dimension_numbers<[1], [0], [0], [1], [0, 0, 1, 1], [], []>, transpose_lhs_hint = false} : vector<1000x64xf32>, vector<64x64xf32>, vector<1000x64xf32> -> vector<1000x64xf32>
    %slice3A_21 = vector.extract_strided_slice %select_n3A {offsets = [0, 64], sizes = [1000, 64], strides = [1, 1]} : vector<1000x192xf32> to vector<1000x64xf32>
    %get3A_22 = arith.constant 1 : index
    %get3A_23 = arith.constant 0 : index
    %get3A_24 = arith.constant 0 : index
    %get3A_25 = vector.load %arg5[%get3A_22, %get3A_23, %get3A_24] : memref<3x64x64xf32, #tpu.memory_space<vmem>>, vector<1x64x64xf32>
    %get3A_26 = vector.shape_cast %get3A_25 : vector<1x64x64xf32> to vector<64x64xf32>
    %dot_general3A_27 = arith.constant dense<0.000000e+00> : vector<1000x64xf32>
    %dot_general3A_28 = tpu.matmul %slice3A_21, %get3A_26, %dot_general3A_27 {dimension_numbers = #tpu.dot_dimension_numbers<[1], [0], [0], [1], [0, 0, 1, 1], [], []>, transpose_lhs_hint = false} : vector<1000x64xf32>, vector<64x64xf32>, vector<1000x64xf32> -> vector<1000x64xf32>
    %slice3A_29 = vector.extract_strided_slice %select_n3A {offsets = [0, 128], sizes = [1000, 64], strides = [1, 1]} : vector<1000x192xf32> to vector<1000x64xf32>
    %get3A_30 = arith.constant 2 : index
    %get3A_31 = arith.constant 0 : index
    %get3A_32 = arith.constant 0 : index
    %get3A_33 = vector.load %arg5[%get3A_30, %get3A_31, %get3A_32] : memref<3x64x64xf32, #tpu.memory_space<vmem>>, vector<1x64x64xf32>
    %get3A_34 = vector.shape_cast %get3A_33 : vector<1x64x64xf32> to vector<64x64xf32>
    %dot_general3A_35 = arith.constant dense<0.000000e+00> : vector<1000x64xf32>
    %dot_general3A_36 = tpu.matmul %slice3A_29, %get3A_34, %dot_general3A_35 {dimension_numbers = #tpu.dot_dimension_numbers<[1], [0], [0], [1], [0, 0, 1, 1], [], []>, transpose_lhs_hint = false} : vector<1000x64xf32>, vector<64x64xf32>, vector<1000x64xf32> -> vector<1000x64xf32>
    %concatenate3A = tpu.concatenate %dot_general3A_20, %dot_general3A_28, %dot_general3A_36 in 1 : vector<1000x64xf32>, vector<1000x64xf32>, vector<1000x64xf32> -> vector<1000x192xf32>
    %get3A_37 = arith.constant 0 : index
    %get3A_38 = arith.constant 0 : index
    %get3A_39 = vector.load %arg4[%get3A_37, %get3A_38] : memref<1000x64xf32, #tpu.memory_space<vmem>>, vector<1000x64xf32>
    %get3A_40 = arith.constant 0 : index
    %get3A_41 = arith.constant 0 : index
    %get3A_42 = vector.load %arg6[%get3A_40, %get3A_41] : memref<64x192xf32, #tpu.memory_space<vmem>>, vector<64x192xf32>
    %dot_general3A_43 = arith.constant dense<0.000000e+00> : vector<1000x192xf32>
    %dot_general3A_44 = tpu.matmul %get3A_39, %get3A_42, %dot_general3A_43 {dimension_numbers = #tpu.dot_dimension_numbers<[1], [0], [0], [1], [0, 0, 1, 1], [], []>, transpose_lhs_hint = false} : vector<1000x64xf32>, vector<64x192xf32>, vector<1000x192xf32> -> vector<1000x192xf32>
    %get3A_45 = arith.constant 0 : index
    %get3A_46 = arith.constant 0 : index
    %get3A_47 = vector.load %arg7[%get3A_45, %get3A_46] : memref<1x192xf32, #tpu.memory_space<vmem>>, vector<1x192xf32>
    %add3A = vector.broadcast %get3A_47 : vector<1x192xf32> to vector<1000x192xf32>
    %add3A_48 = arith.addf %dot_general3A_44, %add3A : vector<1000x192xf32>
    %add3A_49 = arith.addf %concatenate3A, %add3A_48 : vector<1000x192xf32>
    %max3A_50 = arith.constant 0.000000e+00 : f32
    %max3A_51 = vector.broadcast %max3A_50 : f32 to vector<1000x192xf32>
    %max3A_52 = arith.maximumf %add3A_49, %max3A_51 : vector<1000x192xf32>
    %swap3A = arith.constant 0 : index
    %swap3A_53 = arith.constant 0 : index
    %swap3A_54 = vector.load %arg8[%swap3A, %swap3A_53] : memref<1000x192xf32, #tpu.memory_space<vmem>>, vector<1000x192xf32>
    tpu.vector_store %arg8[%swap3A, %swap3A_53], %max3A_52 {strides = array<i32>} : memref<1000x192xf32, #tpu.memory_space<vmem>>, vector<1000x192xf32>,
    return
  }
  func.func @transform_0(%arg0: i32) -> (i32, i32) {
    %c0_i32 = arith.constant 0 : i32
    %c0_i32_0 = arith.constant 0 : i32
    return %arg0, %c0_i32 : i32, i32
  }
  func.func @transform_1(%arg0: i32) -> (i32, i32) {
    %c0_i32 = arith.constant 0 : i32
    %c0_i32_0 = arith.constant 0 : i32
    return %arg0, %c0_i32 : i32, i32
  }
  func.func @transform_2(%arg0: i32) -> (i32, i32) {
    %c0_i32 = arith.constant 0 : i32
    %c0_i32_0 = arith.constant 0 : i32
    return %arg0, %c0_i32 : i32, i32
  }
  func.func @transform_3(%arg0: i32) -> (i32, i32) {
    %c0_i32 = arith.constant 0 : i32
    %c0_i32_0 = arith.constant 0 : i32
    return %arg0, %c0_i32 : i32, i32
  }
  func.func @transform_4(%arg0: i32) -> (i32, i32, i32) {
    %c0_i32 = arith.constant 0 : i32
    %c0_i32_0 = arith.constant 0 : i32
    %c0_i32_1 = arith.constant 0 : i32
    %c0_i32_2 = arith.constant 0 : i32
    return %c0_i32, %c0_i32_0, %c0_i32_1 : i32, i32, i32
  }
  func.func @transform_5(%arg0: i32) -> (i32, i32) {
    %c0_i32 = arith.constant 0 : i32
    %c0_i32_0 = arith.constant 0 : i32
    %c0_i32_1 = arith.constant 0 : i32
    return %c0_i32, %c0_i32_0 : i32, i32
  }
  func.func @transform_6(%arg0: i32) -> (i32, i32) {
    %c0_i32 = arith.constant 0 : i32
    %c0_i32_0 = arith.constant 0 : i32
    %c0_i32_1 = arith.constant 0 : i32
    return %c0_i32, %c0_i32_0 : i32, i32
  }
  func.func @transform_7(%arg0: i32) -> (i32, i32) {
    %c0_i32 = arith.constant 0 : i32
    %c0_i32_0 = arith.constant 0 : i32
    return %arg0, %c0_i32 : i32, i32
  }
}

</mosaic_0001>

<sc_bundles>
// kernel: kernel.4.cloned.1.call-start
scs
__scs_entry_jumppad:
0x0: {  	(pc) =	sbr.rel $0x88, $3  }
0x1: {  	(tag) =	ssettag $0x0;
	lr =	simm.s32 $0x1  }
0x2: {  	[smem:$0x3F9B] =	sst lr;
	_ =	strace $0xD0000000  }
0x3: {  	_ = 	snop  }
0x4: {  	_ = 	snop  }
0x5: {  	_ = 	snop  }
0x6: {  	_ = 	snop  }
0x7: {  	_ = 	snop  }
__scs_overlays_trampoline_lowered:
0x8: {  	[smem:$0x3FAA] =	sst s0  }
0x9: {  	[smem:$0x3FAB] =	sst s1  }
0xa: {  	[smem:$0x3FAC] =	sst s2  }
0xb: {  	[smem:$0x3FAD] =	sst s3  }
0xc: {  	[smem:$0x3FAE] =	sst s4  }
0xd: {  	[smem:$0x3FAF] =	sst s5  }
0xe: {  	[smem:$0x3FB0] =	sst s6  }
0xf: {  	[smem:$0x3FB1] =	sst s7  }
0x10: {  	[smem:$0x3FB2] =	sst s8  }
0x11: {  	[smem:$0x3FB3] =	sst s9;
	s0 =	simm.s32 @!p0 $0x0  }
0x12: {  	s1 =	sld [smem:$0x3F99];
	s0 =	simm.s32 @p0 $0x1  }
0x13: {  	[smem:$0x3FB4] =	sst s0;
	s0 =	simm.s32 @!p1 $0x0  }
0x14: {  	s2 =	sld [smem:$0x3F98];
	s0 =	simm.s32 @p1 $0x1  }
0x15: {  	[smem:$0x3FB5] =	sst s0;
	s0 =	simm.s32 @!p2 $0x0  }
0x16: {  	s3 =	sld [smem:$0x3FDB];
	s0 =	simm.s32 @p2 $0x1  }
0x17: {  	s4 =	simm.s32 $0x1BF5;
	[smem:$0x3FB7] =	sst s0  }
0x18: {  	s0 =	sld [smem:$0x3F9A];
	_ =	swait.ge [sflag:s4], $0x0  }
0x19: {  	s7 =	sld [smem:$0x3F9B]  }
0x1a: {  	s8 =	sadd.s32 $0xFFFFE003, lr  }
0x1b: {  	s9 =	sadd.s32 $0xFFFFFEF7, lr;
	s5 =	simm.s32 $0xFFFFFFFF;
	p2 =	slt.u32 s8, $0xFFFFF086  }
0x1c: {  	p1 =	slt.u32 s9, $0xF7A;
	s5 =	simm.s32 @!p2 $0x0  }
0x1d: {  	s5 =	simm.s32 @p1 $0x1;
	p0 =	seq.s32 s7, s2  }
0x1e: {  	s7 =	smul.u32 @!p0 $0xF7A, s2;
	p2 =	seq.s32 @!p0 s5, $0x0  }
0x1f: {  	s9 =	smul.u32 $0xF7A, s1;
	s8 =	simm.s32 @!p0 $0x1BF5;
	p2 =	por !p2, p0  }
0x20: {  	[sflag:s8] =	ssyncset.s32 @!p0 $0xFFFFF086;
	s6 =	sadd.s32 @!p0 s3, s7;
	s7 =	simm.s32 @!p0 $0x108  }
0x21: {  	s3 =	sadd.s32 s3, s9;
	s6 =	sadd.s32 @!p0 $0x88, s6;
	s7 =	simm.s32 @p2 $0x1082  }
0x22: {  	[simem:s7], [sflag:s8] =	dma.local @!p0 [hbm:s6], $0xF7A  }
0x23: {  	s9 =	sor.u32 $0xD0000000, s2;
	s6 =	simm.s32 $0x108;
	_ =	swait.ge @!p0 [sflag:s8], $0x0  }
0x24: {  	s3 =	sadd.s32 $0x88, s3;
	s6 =	simm.s32 @!p1 $0x1082;
	[sflag:s4] =	ssyncset.s32 $0xFFFFF086  }
0x25: {  	[simem:s6], [sflag:s4] =	dma.local [hbm:s3], $0xF7A  }
0x26: {  	[smem:$0x3F9B] =	sst s1;
	(tag) =	ssettag s2;
	_ =	strace s9  }
0x27: {  	s1 =	sld [smem:$0x3FAB]  }
0x28: {  	s2 =	sld [smem:$0x3FAC]  }
0x29: {  	s4 =	sld [smem:$0x3FAE]  }
0x2a: {  	p0 =	seq.s32 s5, $0x0;
	s5 =	sld [smem:$0x3FAF]  }
0x2b: {  	s6 =	sld [smem:$0x3FB0]  }
0x2c: {  	s7 =	sld [smem:$0x3FB1]  }
0x2d: {  	s3 =	simm.s32 $0x108;
	s8 =	sld [smem:$0x3FB2]  }
0x2e: {  	s3 =	simm.s32 @!p0 $0x1082;
	s9 =	sld [smem:$0x3FB3]  }
0x2f: {  	lr =	sadd.s32 s0, s3;
	s0 =	sld [smem:$0x3FAA]  }
0x30: {  	s3 =	sld [smem:$0x3FAD]  }
0x31: {  	[smem:$0x3FB6] =	sst s10  }
0x32: {  	s10 =	sld [smem:$0x3FB4];
	_ =	sdelay $0x3  }
0x33: {  	p0 =	seq.s32 s10, $0x1;
	s10 =	sld [smem:$0x3FB6];
	_ =	sdelay $0x3  }
0x34: {  	[smem:$0x3FB6] =	sst s10  }
0x35: {  	s10 =	sld [smem:$0x3FB5];
	_ =	sdelay $0x3  }
0x36: {  	p1 =	seq.s32 s10, $0x1;
	s10 =	sld [smem:$0x3FB6];
	_ =	sdelay $0x3  }
0x37: {  	[smem:$0x3FB6] =	sst s10  }
0x38: {  	s10 =	sld [smem:$0x3FB7]  }
0x39: {  	_ = 	snop;
	(pc) =	sbr.ind lr, $3  }
0x3a: {  	_ = 	snop  }
0x3b: {  	_ = 	snop  }
0x3c: {  	p2 =	seq.s32 s10, $0x1;
	s10 =	sld [smem:$0x3FB6]  }
0x3d: {  	_ =	shalt  }
0x3e: {  	_ =	shalt  }
0x3f: {  	_ =	shalt  }
0x40: {  	_ =	shalt  }
0x41: {  	_ =	shalt  }
0x42: {  	_ =	shalt  }
0x43: {  	_ =	shalt  }
0x44: {  	_ =	shalt  }
0x45: {  	_ =	shalt  }
0x46: {  	_ =	shalt  }
0x47: {  	_ =	shalt  }
0x48: {  	_ =	shalt  }
0x49: {  	_ =	shalt  }
0x4a: {  	_ =	shalt  }
0x4b: {  	_ =	shalt  }
0x4c: {  	_ =	shalt  }
0x4d: {  	_ =	shalt  }
0x4e: {  	_ =	shalt  }
0x4f: {  	_ =	shalt  }
0x50: {  	_ =	shalt  }
0x51: {  	_ =	shalt  }
0x52: {  	_ =	shalt  }
0x53: {  	_ =	shalt  }
0x54: {  	_ =	shalt  }
0x55: {  	_ =	shalt  }
0x56: {  	_ =	shalt  }
0x57: {  	_ =	shalt  }
0x58: {  	_ =	shalt  }
0x59: {  	_ =	shalt  }
0x5a: {  	_ =	shalt  }
0x5b: {  	_ =	shalt  }
0x5c: {  	_ =	shalt  }
0x5d: {  	_ =	shalt  }
0x5e: {  	_ =	shalt  }
0x5f: {  	_ =	shalt  }
0x60: {  	_ =	shalt  }
0x61: {  	_ =	shalt  }
0x62: {  	_ =	shalt  }
0x63: {  	_ =	shalt  }
0x64: {  	_ =	shalt  }
0x65: {  	_ =	shalt  }
0x66: {  	_ =	shalt  }
0x67: {  	_ =	shalt  }
0x68: {  	_ =	shalt  }
0x69: {  	_ =	shalt  }
0x6a: {  	_ =	shalt  }
0x6b: {  	_ =	shalt  }
0x6c: {  	_ =	shalt  }
0x6d: {  	_ =	shalt  }
0x6e: {  	_ =	shalt  }
0x6f: {  	_ =	shalt  }
0x70: {  	_ =	shalt  }
0x71: {  	_ =	shalt  }
0x72: {  	_ =	shalt  }
0x73: {  	_ =	shalt  }
0x74: {  	_ =	shalt  }
0x75: {  	_ =	shalt  }
0x76: {  	_ =	shalt  }
0x77: {  	_ =	shalt  }
0x78: {  	_ =	shalt  }
0x79: {  	_ =	shalt  }
0x7a: {  	_ =	shalt  }
0x7b: {  	_ =	shalt  }
0x7c: {  	_ =	shalt  }
0x7d: {  	_ =	shalt  }
0x7e: {  	_ =	shalt  }
0x7f: {  	_ =	shalt  }
0x80: {  	_ =	shalt  }
0x81: {  	_ =	shalt  }
0x82: {  	_ =	shalt  }
0x83: {  	_ =	shalt  }
0x84: {  	_ =	shalt  }
0x85: {  	_ =	shalt  }
0x86: {  	_ =	shalt  }
0x87: {  	_ =	shalt  }
.Lfunc_end0:
.L_simem_size_0:
called_computation_lowered:
.L_overlay_start_0:
0x88: {  	s2 =	sld [smem:$0x3FD9]  }
0x89: {  	s3 =	sld [smem:$0x3FFE];
	_ =	sdelay $0x1  }
0x8a: {  	s1 =	srdreg.scid  }
0x8b: {  	s0 =	sand.u32 $0x1, s1  }
0x8c: {  	s17 =	sshll.u32 s0, $0xA;
	s2 =	sadd.s32 s3, s2  }
0x8d: {  	s2 =	sadd.s32 s2, s17  }
0x8e: {  	[smem:$0x3FC2] =	sst s2  }
0x8f: {  	_ = 	snop  }
0x90: {  	s2 =	sld [smem:$0x3FD0];
	(tm) =	ssettm $0x1  }
0x91: {  	s18 =	sld [smem:$0x3FFB];
	_ =	sdelay $0x3  }
0x92: {  	_ =	strace s18  }
0x93: {  	s3 =	sld [smem:$0x3FFC];
	_ =	sdelay $0x3  }
0x94: {  	_ =	strace s3  }
0x95: {  	s3 =	sld [smem:$0x3FFD];
	_ =	sdelay $0x3  }
0x96: {  	_ =	strace s3  }
0x97: {  	_ =	strace $0x8FFFFFFF  }
0x98: {  	s19 =	sld [smem:$0x3FDB];
	_ =	sdelay $0x1  }
0x99: {  	s4 =	simm.s32 $_scs_section_size  }
0x9a: {  	s5 =	simm.s32 $_size__tile_overlayer_lowered;
	s6 =	simm.s32 $_tile_overlayer_lowered  }
0x9b: {  	s22 =	simm.s32 $0x1BFF;
	s21 =	sshll.u32 s6, $0x1;
	s3 =	sadd.s32 s4, s19  }
0x9c: {  	s7 =	simm.s32 $0x0;
	s20 =	sshll.u32 s5, $0x1;
	s5 =	sadd.s32 s21, s3  }
0x9d: {  	[timem:s7], [sflag:s22] =	dma.local [hbm:s5], s20  }
0x9e: {  	_ =	swait.ge [sflag:s22], s20  }
0x9f: {  	s4 =	ssub.s32 $0x0, s20;
	[sflag:s22] =	ssyncset.done $0x0  }
0xa0: {  	[sflag:s22] =	ssyncadd.s32 s4;
	_ =	sdelay $0x1  }
0xa1: {  	s23 =	simm.s32 $0x1B8B  }
0xa2: {  	_ =	swait.ge [sflag:s23], $0x1  }
0xa3: {  	[sflag:s23] =	ssyncset.done $0x0  }
0xa4: {  	s25 =	simm.s32 $0x1B8E;
	s24 =	sld [smem:$0x3FFE];
	[sflag:s23] =	ssyncadd.s32 $0xFFFFFFFF  }
0xa5: {  	s26 =	simm.s32 $execute0_lowered;
	[smem:$0x3FD2] =	sst s25  }
0xa6: {  	s5 =	sshll.u32 s26, $0x1;
	_ =	strace $0x80000046;
	[dreg:$0x1] =	wrdreg $0xFFFFFFFF  }
0xa7: {  	s28 =	simm.s32 $_size_execute0_lowered;
	s3 =	sadd.s32 s3, s5;
	[dreg:$0x0] =	wrdreg $0x0  }
0xa8: {  	s5 =	sshll.u32 s28, $0x1;
	[dreg:$0x2] =	wrdreg s3  }
0xa9: {  	[dreg:$0x3] =	wrdreg s5  }
0xaa: {  	[dreg:$0x4] =	wrdreg $0xC0  }
0xab: {  	_ =	task [dreg:s7], $0x5FFFF  }
0xac: {  	[dreg:$0x1] =	wrdreg $0xFFFFFFFF  }
0xad: {  	[dreg:$0x0] =	wrdreg $0x60  }
0xae: {  	[dreg:$0x2] =	wrdreg s2  }
0xaf: {  	[dreg:$0x3] =	wrdreg s24  }
0xb0: {  	[dreg:$0x4] =	wrdreg $0x0  }
0xb1: {  	[dreg:$0x5] =	wrdreg $0xF0000  }
0xb2: {  	[dreg:$0x6] =	wrdreg $0x9  }
0xb3: {  	_ =	task.clear_ibuf [dreg:s7], $0x7FFFF;
	_ =	strace $0x90000046  }
0xb4: {  	s29 =	simm.s32 $0x9;
	_ =	strace $0x80000048  }
0xb5: {  	_ =	swait.ge [sflag:s29], $0x1  }
0xb6: {  	[sflag:s29] =	ssyncadd.s32 $0xFFFFFFFF  }
0xb7: {  	_ =	strace $0x90000048  }
0xb8: {  	_ =	sfence  }
0xb9: {  	s30 =	sld [smem:$0x0];
	_ =	sdelay $0x2  }
0xba: {  	s31 =	sshll.u32 s1, $0xD;
	s1 =	sshrl.u32 s1, $0x2  }
0xbb: {  	s3 =	sand.u32 $0x4000, s31;
	s1 =	sadd.s32 s1, s30  }
0xbc: {  	s0 =	sor.u32 s3, s0;
	s1 =	sshll.u32 s1, $0x11  }
0xbd: {  	s0 =	sor.u32 s1, s0  }
0xbe: {  	s0 =	sadd.s32 $0x8F2B, s0  }
0xbf: {  	[sflag:s0] =	ssyncadd.remote.s32 $0x1  }
0xc0: {  	_ =	sfence.sel $0xFFFF  }
0xc1: {  	[dreg:$0x0] =	wrdreg $0xFFFFFFFF;
	(pc) =	sbr.abs _section_cstart, $3  }
0xc2: {  	[dreg:$0x1] =	wrdreg $0xFFFFFFFF  }
0xc3: {  	_ =	task.clear_ibuf [dreg:s7], $0x2FFFF;
	_ =	strace $0x9FFFFFFF  }
0xc4: {  	(tm) =	ssettm $0x7FFFFFFF  }
0xc5: {  	_ =	shalt  }
tec
execute0_lowered:
.L_overlay_start_1:
0x0: {  	(tag) =	ssettag $0x1  }
0x1: {  	s1 =	rddreg [dreg:$0x0]  }
0x2: {  	s0 =	rddreg [dreg:$0x1]  }
0x3: {  	s3 =	rddreg [dreg:$0x2]  }
0x4: {  	s4 =	rddreg [dreg:$0x3]  }
0x5: {  	s15 =	stileid.u32;
	s6 =	srdreg.scid;
	s5 =	simm.s32 $0x0  }
0x6: {  	s28 =	simm.s32 $0x1CAC0;
	s29 =	simm.s32 $0x3;
	s2 =	smul.u32 $0x9C4, s15  }
0x7: {  	s31 =	simm.s32 $0x5;
	s30 =	simm.s32 $0x0;
	s7 =	smul.u32 $0x1E000, s15  }
0x8: {  	s6 =	sand.u32 $0x1, s6;
	[smem:$0x7FF] =	sst s5;
	s10 =	smul.u32 $0x280, s15  }
0x9: {  	s9 =	sadd.s32 $0x63200, s0;
	s12 =	sadd.s32 $0x63000, s0;
	s20 =	sadd.s32 $0x62E00, s0  }
0xa: {  	s22 =	smul.u32 $0x3C000, s15;
	_ =	strace $0x80000047;
	[dreg:$0x5] =	wrdreg s9  }
0xb: {  	s24 =	sshll.u32 s15, $0x6;
	s8 =	smul.u32 $0x60, s6;
	[dreg:$0x6] =	wrdreg s12  }
0xc: {  	s15 =	simm.s32 $0x8;
	s19 =	smul.u32 $0x2800, s6;
	[dreg:$0x7] =	wrdreg s20  }
0xd: {  	s23 =	ssub.s32 $0x2, s6;
	p0 =	seq.s32 s6, $0x1;
	s20 =	simm.s32 $0x1E8C0  }
0xe: {  	p1 =	sne.s32 s6, $0x0;
	p2 =	seq.s32 s6, $0x0;
	s11 =	sadd.s32 s2, s0  }
0xf: {  	s13 =	sshrl.u32 s23, $0x1;
	s9 =	sshrl.u32 s22, $0x2;
	s16 =	sadd.s32 s10, s4  }
0x10: {  	s22 =	simm.s32 $0x18EC0;
	s7 =	sor.u32 s8, s7;
	s21 =	sadd.s32 s10, s19  }
0x11: {  	s13 =	ssub.s32 s23, s13;
	s14 =	sadd.s32 s9, s3;
	s9 =	sor.u32 $0x1C08, s24  }
0x12: {  	s25 =	sadd.s32 $0x1200, s11;
	s16 =	sshrl.u32 s16, $0x3;
	s10 =	simm.s32 $0xF280  }
0x13: {  	s19 =	simm.s32 $0x140A0;
	s24 =	simm.s32 $0x1ACC0;
	s23 =	simm.s32 $0x2  }
0x14: {  	s7 =	sshrl.u32 s7, $0x3;
	s8 =	sshrl.u32 s21, $0x3;
	[dreg:$0x8] =	wrdreg s25  }
0x15: {  	s13 =	smax.u32 s13, $0x1;
	s14 =	sshrl.u32 s14, $0x3;
	s21 =	simm.s32 $0x50  }
0x16: {  	s25 =	simm.s32 $0x1;
	s7 =	sadd.s32 s7, s0;
	s8 =	sadd.s32 s8, s0  }
0x17: {  	s0 =	sadd.s32 $0xAE40, s0;
	s7 =	sadd.s32 $0x65A00, s7;
	s26 =	sadd.s32 $0x65000, s8  }
0x18: {  	s18 =	sadd.s32 s2, s0;
	s2 =	simm.s32 $0x6;
	[dreg:$0x9] =	wrdreg s7  }
0x19: {  	v0 =	vmov s6;
	s0 =	simm.s32 $0x7;
	[dreg:$0xa] =	wrdreg s26;
	s26 =	simm.s32 $0x4  }
.LBB2_1:
0x1a: {  	s6 =	rddreg [dreg:$0x5]  }
0x1b: {  	[spmem:s14], [sflag:s9] =	dma.local [hbm:s6], $0x1E00  }
0x1c: {  	_ =	swait.ge [sflag:s15], $0x1E00  }
0x1d: {  	[sflag:s15] =	ssyncset.done $0x0  }
0x1e: {  	s11 =	rddreg [dreg:$0x6];
	[sflag:s15] =	ssyncadd.s32 $0xFFFFE200  }
0x1f: {  	[spmem:s16], [sflag:s9] =	dma.local [hbm:s11], $0x50  }
0x20: {  	_ =	swait.ge [sflag:s15], $0x50  }
0x21: {  	[sflag:s15] =	ssyncset.done $0x0  }
0x22: {  	s12 =	rddreg [dreg:$0x8];
	[sflag:s15] =	ssyncadd.s32 $0xFFFFFFB0  }
0x23: {  	[tilespmem:s10], [sflag:$0x8] =	stream.linear.gather [hbm4b:s12+s5], $0x4E20, $0x38;
	[tilespmem:$0x1E910] =	vst v63  }
0x24: {  	_ =	swait.ge [sflag:s15], $0x4E20  }
0x25: {  	[sflag:s15] =	ssyncset.done $0x0  }
0x26: {  	[sflag:s15] =	ssyncadd.s32 $0xFFFFB1E0  }
0x27: {  	[tilespmem:s19], [sflag:$0x8] =	stream.linear.gather [hbm4b:s18+s5], $0x4E20, $0x38;
	[tilespmem:$0x1E910] =	vst v63  }
0x28: {  	_ =	swait.ge [sflag:s15], $0x4E20  }
0x29: {  	[sflag:s15] =	ssyncset.done $0x0  }
0x2a: {  	s17 =	rddreg [dreg:$0x7];
	[sflag:s15] =	ssyncadd.s32 $0xFFFFB1E0  }
0x2b: {  	[tilespmem:s20], [sflag:$0x8] =	stream.linear.gather [hbm4b:s17+s5], $0x50, $0x38;
	[tilespmem:$0x1E910] =	vst v63  }
0x2c: {  	_ =	swait.ge [sflag:s15], $0x50  }
0x2d: {  	[sflag:s15] =	ssyncset.done $0x0  }
0x2e: {  	s6 =	simm.s32 $0x0;
	[sflag:s15] =	ssyncadd.s32 $0xFFFFFFB0  }
0x2f: {  	v3 =	vld [tilespmem:s6+$0xF280]  }
0x30: {  	v4 =	vld [tilespmem:s6+$0xF290]  }
0x31: {  	v2 =	vld [tilespmem:s6+$0xF2A0]  }
0x32: {  	s7 =	simm.s32 $0x140;
	v1 =	vld [tilespmem:s6+$0xF2B0]  }
.LBB2_2:
0x33: {  	p3 =	sne.s32 s7, $0x13740;
	v5 =	vld [tilespmem:s6+$0xF2C0]  }
0x34: {  	v3 =	vshll.u32 v3, $0x1  }
0x35: {  	v3 =	vor.u32 v0, v3;
	v4 =	vshll.u32 v4, $0x1  }
.Ltmp0:
0x36: {  	s8 =	sshra.s32 s7, $0x2;
	[tilespmem:s6+$0xF280] =	vst v3;
	v4 =	vor.u32 v0, v4;
	v2 =	vshll.u32 v2, $0x1;
	(pc) =	sbr.rel @p3 .LBB2_2-.Ltmp0, $4  }
0x37: {  	v3 =	vld [tilespmem:s8+$0xF280];
	[tilespmem:s6+$0xF290] =	vst v4;
	v2 =	vor.u32 v0, v2;
	v1 =	vshll.u32 v1, $0x1  }
0x38: {  	v4 =	vld [tilespmem:s8+$0xF290];
	[tilespmem:s6+$0xF2A0] =	vst v2;
	v1 =	vor.u32 v0, v1;
	v5 =	vshll.u32 v5, $0x1  }
0x39: {  	v2 =	vld [tilespmem:s8+$0xF2A0];
	[tilespmem:s6+$0xF2B0] =	vst v1;
	v5 =	vor.u32 v0, v5  }
0x3a: {  	s7 =	sadd.s32 $0x140, s7;
	v1 =	vld [tilespmem:s8+$0xF2B0];
	[tilespmem:s6+$0xF2C0] =	vst v5;
	s6 =	smov.u32 s8  }
0x3b: {  	v5 =	vld [tilespmem:s6+$0xF2C0]  }
0x3c: {  	v3 =	vshll.u32 v3, $0x1  }
0x3d: {  	v3 =	vor.u32 v0, v3;
	v4 =	vshll.u32 v4, $0x1  }
0x3e: {  	[tilespmem:s6+$0xF280] =	vst v3;
	v3 =	vor.u32 v0, v4;
	v2 =	vshll.u32 v2, $0x1  }
0x3f: {  	[tilespmem:s6+$0xF290] =	vst v3;
	v2 =	vor.u32 v0, v2;
	v1 =	vshll.u32 v1, $0x1  }
0x40: {  	[tilespmem:s6+$0xF2A0] =	vst v2;
	v1 =	vor.u32 v0, v1;
	v2 =	vshll.u32 v5, $0x1  }
0x41: {  	[tilespmem:s6+$0xF2B0] =	vst v1;
	v1 =	vor.u32 v0, v2  }
0x42: {  	[tilespmem:s6+$0xF2C0] =	vst v1  }
0x43: {  	[bflag:$0x0] =	sbarrier.arrive $0xFFFF  }
0x44: {  	[tilespmem:s22], [sflag:$0x1] =	stream.indirect.gather [hbm4b:s1+s21], $0x60, s10, s21, $0xb8;
	[tilespmem:$0x1E910] =	vst v63  }
0x45: {  	s10 =	simm.s32 $0xF2D0  }
0x46: {  	[tilespmem:s24], [sflag:$0x2] =	stream.indirect.gather [hbm4b:s1+s21], $0x60, s10, s21, $0xb8;
	[tilespmem:$0x1E910] =	vst v63  }
0x47: {  	_ =	swait.ge [sflag:s25], $0x1E00  }
0x48: {  	[sflag:s25] =	ssyncset.done $0x0  }
0x49: {  	[sflag:s25] =	ssyncadd.s32 $0xFFFFE200  }
0x4a: {  	[spmem:s3] =	stream.indirect.scatter.add.f32 [tilespmem:s22], [sflag:$0x4], $0x60, s19, s21, $0xb8;
	[tilespmem:$0x1E910] =	vst v63  }
0x4b: {  	s11 =	simm.s32 $0xF320;
	s6 =	simm.s32 @p1 $0x2  }
0x4c: {  	[tilespmem:s28], [sflag:$0x3] =	stream.indirect.gather [hbm4b:s1+s21], $0x60, s11, s21, $0xb8;
	[tilespmem:$0x1E910] =	vst v63  }
0x4d: {  	_ =	swait.ge @p1 [sflag:s6], $0x1E00  }
0x4e: {  	s7 =	simm.s32 @p1 $0x140F0;
	[sflag:s6] =	ssyncset.done @p1 $0x0  }
0x4f: {  	s8 =	simm.s32 @p1 $0x1ACC0;
	[sflag:s6] =	ssyncadd.s32 @p1 $0xFFFFE200;
	s6 =	simm.s32 @p1 $0x50  }
0x50: {  	[spmem:s3] =	stream.indirect.scatter.add.f32 @p1 [tilespmem:s8], [sflag:$0x5], $0x60, s7, s6, $0xb8;
	[tilespmem:$0x1E910] =	vst v63  }
0x51: {  	s7 =	simm.s32 @p1 $0x4  }
0x52: {  	_ =	swait.ge @p1 [sflag:s7], $0x1E00  }
0x53: {  	[sflag:s7] =	ssyncset.done @p1 $0x0  }
0x54: {  	s8 =	simm.s32 @p1 $0x18EC0;
	[sflag:s7] =	ssyncadd.s32 @p1 $0xFFFFE200;
	s7 =	simm.s32 @p1 $0xF370  }
0x55: {  	[tilespmem:s8], [sflag:$0x1] =	stream.indirect.gather @p1 [hbm4b:s1+s6], $0x60, s7, s6, $0xb8;
	[tilespmem:$0x1E910] =	vst v63  }
0x56: {  	s6 =	simm.s32 @!p1 $0x50;
	s7 =	simm.s32 @!p1 $0x140A0;
	s8 =	simm.s32 @!p1 $0x1E8C0  }
0x57: {  	[spmem:s4] =	stream.indirect.scatter.add.f32 @!p1 [tilespmem:s8], [sflag:$0x7], $0x1, s7, s6, $0xb8;
	[tilespmem:$0x1E910] =	vst v63  }
0x58: {  	s7 =	simm.s32 @!p1 $0x2  }
0x59: {  	_ =	swait.ge @!p1 [sflag:s7], $0x1E00  }
0x5a: {  	[sflag:s7] =	ssyncset.done @!p1 $0x0  }
0x5b: {  	s10 =	simm.s32 @!p1 $0x1ACC0;
	[sflag:s7] =	ssyncadd.s32 @!p1 $0xFFFFE200;
	s7 =	simm.s32 @!p1 $0x140F0  }
0x5c: {  	[spmem:s3] =	stream.indirect.scatter.add.f32 @!p1 [tilespmem:s10], [sflag:$0x5], $0x60, s7, s6, $0xb8;
	[tilespmem:$0x1E910] =	vst v63  }
0x5d: {  	s10 =	simm.s32 @!p1 $0x4  }
0x5e: {  	_ =	swait.ge @!p1 [sflag:s10], $0x1E00  }
0x5f: {  	[sflag:s10] =	ssyncset.done @!p1 $0x0  }
0x60: {  	s11 =	simm.s32 @!p1 $0x18EC0;
	[sflag:s10] =	ssyncadd.s32 @!p1 $0xFFFFE200;
	s10 =	simm.s32 @!p1 $0xF370  }
0x61: {  	[tilespmem:s11], [sflag:$0x1] =	stream.indirect.gather @!p1 [hbm4b:s1+s6], $0x60, s10, s6, $0xb8;
	[tilespmem:$0x1E910] =	vst v63  }
0x62: {  	_ = 	snop  }
0x63: {  	[spmem:s4] =	stream.indirect.scatter.add.f32 @!p1 [tilespmem:s8], [sflag:$0x7], $0x1, s7, s6, $0xb8;
	[tilespmem:$0x1E910] =	vst v63  }
0x64: {  	_ =	swait.ge [sflag:s29], $0x1E00  }
0x65: {  	[sflag:s29] =	ssyncset.done $0x0  }
0x66: {  	s12 =	simm.s32 $0x14140;
	[sflag:s29] =	ssyncadd.s32 $0xFFFFE200  }
0x67: {  	[spmem:s3] =	stream.indirect.scatter.add.f32 [tilespmem:s28], [sflag:$0x6], $0x60, s12, s21, $0xb8;
	[tilespmem:$0x1E910] =	vst v63  }
0x68: {  	_ =	swait.ge [sflag:s31], $0x1E00  }
0x69: {  	[sflag:s31] =	ssyncset.done $0x0  }
0x6a: {  	s17 =	simm.s32 $0xF3C0;
	[sflag:s31] =	ssyncadd.s32 $0xFFFFE200  }
0x6b: {  	[tilespmem:s24], [sflag:$0x2] =	stream.indirect.gather [hbm4b:s1+s21], $0x60, s17, s21, $0xb8;
	[tilespmem:$0x1E910] =	vst v63  }
0x6c: {  	s7 =	simm.s32 @!p1 $0x14140  }
0x6d: {  	[spmem:s4] =	stream.indirect.scatter.add.f32 @!p1 [tilespmem:s8], [sflag:$0x7], $0x1, s7, s6, $0xb8;
	[tilespmem:$0x1E910] =	vst v63  }
0x6e: {  	s7 =	simm.s32 $0x1;
	s6 =	simm.s32 $0x0  }
.LBB2_4:
0x6f: {  	_ =	swait.ge [sflag:s25], $0x1E00  }
0x70: {  	s10 =	sshra.s32 s6, $0x2;
	p3 =	slt.u32 s7, $0x2A;
	[sflag:s25] =	ssyncset.done $0x0  }
0x71: {  	p4 =	sgt.u32 s7, $0x29;
	s8 =	sadd.s32 $0x14190, s10;
	[sflag:s25] =	ssyncadd.s32 $0xFFFFE200  }
0x72: {  	[spmem:s3] =	stream.indirect.scatter.add.f32 [tilespmem:s22], [sflag:$0x4], $0x60, s8, s21, $0xb8;
	[tilespmem:$0x1E910] =	vst v63  }
0x73: {  	p3 =	por !p2, !p3;
	p4 =	por !p4, !p0;
	_ =	swait.ge [sflag:s2], $0x1E00  }
0x74: {  	p3 =	por !p3, !p3;
	p4 =	por !p4, !p4;
	[sflag:s2] =	ssyncset.done $0x0  }
0x75: {  	s11 =	sadd.s32 $0xF410, s10;
	p3 =	por p3, p4;
	[sflag:s2] =	ssyncadd.s32 $0xFFFFE200  }
0x76: {  	[tilespmem:s28], [sflag:$0x3] =	stream.indirect.gather [hbm4b:s1+s21], $0x60, s11, s21, $0xb8;
	[tilespmem:$0x1E910] =	vst v63  }
0x77: {  	s17 =	simm.s32 @p3 $0x1E8C0;
	s11 =	simm.s32 @p3 $0x50  }
0x78: {  	[spmem:s4] =	stream.indirect.scatter.add.f32 @p3 [tilespmem:s17], [sflag:$0x7], $0x1, s8, s11, $0xb8;
	[tilespmem:$0x1E910] =	vst v63  }
0x79: {  	_ =	swait.ge [sflag:s23], $0x1E00  }
0x7a: {  	[sflag:s23] =	ssyncset.done $0x0  }
0x7b: {  	s8 =	sadd.s32 $0x141E0, s10;
	[sflag:s23] =	ssyncadd.s32 $0xFFFFE200  }
0x7c: {  	[spmem:s3] =	stream.indirect.scatter.add.f32 [tilespmem:s24], [sflag:$0x5], $0x60, s8, s21, $0xb8;
	[tilespmem:$0x1E910] =	vst v63  }
0x7d: {  	_ =	swait.ge [sflag:s26], $0x1E00  }
0x7e: {  	[sflag:s26] =	ssyncset.done $0x0  }
0x7f: {  	s12 =	sadd.s32 $0xF460, s10;
	[sflag:s26] =	ssyncadd.s32 $0xFFFFE200  }
0x80: {  	[tilespmem:s22], [sflag:$0x1] =	stream.indirect.gather [hbm4b:s1+s21], $0x60, s12, s21, $0xb8;
	[tilespmem:$0x1E910] =	vst v63  }
0x81: {  	_ = 	snop  }
0x82: {  	[spmem:s4] =	stream.indirect.scatter.add.f32 @p3 [tilespmem:s17], [sflag:$0x7], $0x1, s8, s11, $0xb8;
	[tilespmem:$0x1E910] =	vst v63  }
0x83: {  	_ =	swait.ge [sflag:s29], $0x1E00  }
0x84: {  	[sflag:s29] =	ssyncset.done $0x0  }
0x85: {  	p6 =	sgt.u32 s7, $0x28;
	s8 =	sadd.s32 $0x14230, s10;
	[sflag:s29] =	ssyncadd.s32 $0xFFFFE200  }
0x86: {  	[spmem:s3] =	stream.indirect.scatter.add.f32 [tilespmem:s28], [sflag:$0x6], $0x60, s8, s21, $0xb8;
	[tilespmem:$0x1E910] =	vst v63  }
0x87: {  	p5 =	slt.u32 s7, $0x29;
	p4 =	por !p6, !p0;
	_ =	swait.ge [sflag:s31], $0x1E00  }
0x88: {  	p4 =	por !p4, !p4;
	p3 =	por !p2, !p5;
	[sflag:s31] =	ssyncset.done $0x0  }
0x89: {  	s10 =	sadd.s32 $0xF4B0, s10;
	p3 =	por !p3, !p3;
	[sflag:s31] =	ssyncadd.s32 $0xFFFFE200  }
0x8a: {  	[tilespmem:s24], [sflag:$0x2] =	stream.indirect.gather [hbm4b:s1+s21], $0x60, s10, s21, $0xb8;
	[tilespmem:$0x1E910] =	vst v63  }
0x8b: {  	s6 =	sadd.s32 $0x3C0, s6;
	p3 =	por p3, p4  }
0x8c: {  	[spmem:s4] =	stream.indirect.scatter.add.f32 @p3 [tilespmem:s20], [sflag:$0x7], $0x1, s8, s21, $0xb8;
	[tilespmem:$0x1E910] =	vst v63  }
0x8d: {  	p3 =	sne.s32 s6, $0x12FC0  }
.Ltmp1:
0x8e: {  	_ = 	snop;
	(pc) =	sbr.rel @p3 .LBB2_4-.Ltmp1, $2  }
0x8f: {  	_ =	sdelay $0x2  }
0x90: {  	s7 =	sadd.s32 $0x1, s7  }
0x91: {  	_ =	swait.ge [sflag:s25], $0x1E00  }
0x92: {  	s7 =	sshra.s32 s6, $0x2;
	[sflag:s25] =	ssyncset.done $0x0  }
0x93: {  	s8 =	sadd.s32 $0x14190, s7;
	[sflag:s25] =	ssyncadd.s32 $0xFFFFE200  }
0x94: {  	[spmem:s3] =	stream.indirect.scatter.add.f32 [tilespmem:s22], [sflag:$0x4], $0x60, s8, s21, $0xb8;
	[tilespmem:$0x1E910] =	vst v63  }
0x95: {  	_ =	swait.ge [sflag:s2], $0x1E00  }
0x96: {  	[sflag:s2] =	ssyncset.done $0x0  }
0x97: {  	s10 =	sadd.s32 $0xF410, s7;
	[sflag:s2] =	ssyncadd.s32 $0xFFFFE200  }
0x98: {  	[tilespmem:s28], [sflag:$0x3] =	stream.indirect.gather [hbm4b:s1+s21], $0x60, s10, s21, $0xb8;
	[tilespmem:$0x1E910] =	vst v63  }
0x99: {  	s11 =	simm.s32 @p0 $0x1E8C0;
	s10 =	simm.s32 @p0 $0x50  }
0x9a: {  	[spmem:s4] =	stream.indirect.scatter.add.f32 @p0 [tilespmem:s11], [sflag:$0x7], $0x1, s8, s10, $0xb8;
	[tilespmem:$0x1E910] =	vst v63  }
0x9b: {  	_ =	swait.ge [sflag:s23], $0x1E00  }
0x9c: {  	[sflag:s23] =	ssyncset.done $0x0  }
0x9d: {  	s8 =	sadd.s32 $0x141E0, s7;
	[sflag:s23] =	ssyncadd.s32 $0xFFFFE200  }
0x9e: {  	[spmem:s3] =	stream.indirect.scatter.add.f32 [tilespmem:s24], [sflag:$0x5], $0x60, s8, s21, $0xb8;
	[tilespmem:$0x1E910] =	vst v63  }
0x9f: {  	_ =	swait.ge [sflag:s26], $0x1E00  }
0xa0: {  	[sflag:s26] =	ssyncset.done $0x0  }
0xa1: {  	s7 =	sadd.s32 $0xF460, s7;
	[sflag:s26] =	ssyncadd.s32 $0xFFFFE200  }
0xa2: {  	[tilespmem:s22], [sflag:$0x1] =	stream.indirect.gather [hbm4b:s1+s21], $0x60, s7, s21, $0xb8;
	[tilespmem:$0x1E910] =	vst v63  }
0xa3: {  	s7 =	simm.s32 @!p0 $0x3  }
0xa4: {  	_ =	swait.ge @!p0 [sflag:s7], $0x1E00  }
0xa5: {  	[sflag:s7] =	ssyncset.done @!p0 $0x0  }
0xa6: {  	[sflag:s7] =	ssyncadd.s32 @!p0 $0xFFFFE200;
	s7 =	sshra.s32 @!p0 s6, $0x2  }
0xa7: {  	s12 =	simm.s32 @!p0 $0x50;
	s17 =	simm.s32 @!p0 $0x1CAC0;
	s7 =	sadd.s32 @!p0 $0x14230, s7  }
0xa8: {  	[spmem:s3] =	stream.indirect.scatter.add.f32 @!p0 [tilespmem:s17], [sflag:$0x6], $0x60, s7, s12, $0xb8;
	[tilespmem:$0x1E910] =	vst v63  }
0xa9: {  	s7 =	simm.s32 @p0 $0x3  }
0xaa: {  	[spmem:s4] =	stream.indirect.scatter.add.f32 @p0 [tilespmem:s11], [sflag:$0x7], $0x1, s8, s10, $0xb8;
	[tilespmem:$0x1E910] =	vst v63  }
0xab: {  	_ =	swait.ge @p0 [sflag:s7], $0x1E00  }
0xac: {  	s6 =	sshra.s32 @p0 s6, $0x2;
	[sflag:s7] =	ssyncset.done @p0 $0x0  }
0xad: {  	s6 =	sadd.s32 @p0 $0x14230, s6;
	[sflag:s7] =	ssyncadd.s32 @p0 $0xFFFFE200;
	s7 =	simm.s32 @p0 $0x1CAC0  }
0xae: {  	[spmem:s3] =	stream.indirect.scatter.add.f32 @p0 [tilespmem:s7], [sflag:$0x6], $0x60, s6, s10, $0xb8;
	[tilespmem:$0x1E910] =	vst v63  }
0xaf: {  	_ = 	snop  }
0xb0: {  	[spmem:s4] =	stream.indirect.scatter.add.f32 @p0 [tilespmem:s11], [sflag:$0x7], $0x1, s6, s10, $0xb8;
	[tilespmem:$0x1E910] =	vst v63  }
0xb1: {  	_ =	swait.ge [sflag:s25], $0x1E00  }
0xb2: {  	[sflag:s25] =	ssyncset.done $0x0  }
0xb3: {  	s17 =	simm.s32 $0x18E70;
	[sflag:s25] =	ssyncadd.s32 $0xFFFFE200  }
0xb4: {  	[spmem:s3] =	stream.indirect.scatter.add.f32 [tilespmem:s22], [sflag:$0x4], $0x60, s17, s21, $0xb8;
	[tilespmem:$0x1E910] =	vst v63  }
0xb5: {  	s8 =	simm.s32 @!p2 $0x1E8C0;
	s7 =	simm.s32 @!p2 $0x18E70;
	s6 =	simm.s32 @!p2 $0x50  }
0xb6: {  	[spmem:s4] =	stream.indirect.scatter.add.f32 @!p2 [tilespmem:s8], [sflag:$0x7], $0x1, s7, s6, $0xb8;
	[tilespmem:$0x1E910] =	vst v63  }
0xb7: {  	_ =	swait.ge [sflag:s26], $0x1E00  }
0xb8: {  	[sflag:s26] =	ssyncset.done $0x0  }
0xb9: {  	[sflag:s26] =	ssyncadd.s32 $0xFFFFE200  }
0xba: {  	_ =	swait.ge [sflag:s31], $0x1E00  }
0xbb: {  	[sflag:s31] =	ssyncset.done $0x0  }
0xbc: {  	[sflag:s31] =	ssyncadd.s32 $0xFFFFE200  }
0xbd: {  	_ =	swait.ge [sflag:s2], $0x1E00  }
0xbe: {  	[sflag:s2] =	ssyncset.done $0x0  }
0xbf: {  	[sflag:s2] =	ssyncadd.s32 $0xFFFFE200  }
0xc0: {  	_ =	swait.ge [sflag:s0], $0x50  }
0xc1: {  	s6 =	simm.s32 $0x7C;
	[sflag:s0] =	ssyncset.done $0x0  }
.LBB2_6:
0xc2: {  	p3 =	sne.s32 s6, $0x1;
	s6 =	sadd.s32 $0xFFFFFFFF, s6;
	[sflag:s0] =	ssyncadd.s32 $0xFFFFFFB0  }
.Ltmp2:
0xc3: {  	(pc) =	sbr.rel @p3 .LBB2_6-.Ltmp2, $3  }
0xc4: {  	_ =	sdelay $0x1  }
0xc5: {  	_ =	swait.ge [sflag:s0], $0x50  }
0xc6: {  	[sflag:s0] =	ssyncset.done $0x0  }
0xc7: {  	[sflag:s0] =	ssyncadd.s32 $0xFFFFFFB0  }
0xc8: {  	[bflag:$0x0] =	sbarrier.arrive $0xFFFF  }
0xc9: {  	s7 =	simm.s32 $0x18;
	s8 =	simm.s32 $0xC;
	s6 =	rddreg [dreg:$0x9]  }
0xca: {  	[hbm:s6@s7], [sflag:s9] =	dma.strided [spmem:s14@s8], $0x1E00, s25, $0xc   }
0xcb: {  	s30 =	sadd.s32 $0x1, s30;
	_ =	swait.ge [sflag:s15], $0x1E00  }
0xcc: {  	p3 =	sne.s32 s30, s13;
	[sflag:s15] =	ssyncset.done $0x0  }
.Ltmp3:
0xcd: {  	s17 =	rddreg [dreg:$0xa];
	[sflag:s15] =	ssyncadd.s32 $0xFFFFE200;
	(pc) =	sbr.rel @p3 .LBB2_1-.Ltmp3, $4  }
0xce: {  	[hbm:s17], [sflag:s9] =	dma.local [spmem:s16], $0x50  }
0xcf: {  	_ =	swait.ge [sflag:s15], $0x50  }
0xd0: {  	[sflag:s15] =	ssyncset.done $0x0  }
0xd1: {  	s10 =	simm.s32 $0xF280;
	[sflag:s15] =	ssyncadd.s32 $0xFFFFFFB0  }
0xd2: {  	_ =	sfence.sel $0x180000  }
0xd3: {  	[bflag:$0x0] =	sbarrier.arrive $0xFFFF  }
0xd4: {  	_ =	strace $0x90000047  }
0xd5: {  	s0 =	stileid.u32;
	[bflag:$0x2] =	sbarrier.arrive $0xFFFF  }
0xd6: {  	p0 =	sne.s32 s0, $0x0;
	s0 =	rddreg [dreg:$0x4]  }
0xd7: {  	s0 =	sadd.s32 @!p0 $0x100000, s0  }
0xd8: {  	[sflag:s0] =	ssyncadd.tile.s32 @!p0 $0x1;
	_ =	shalt  }
.Lfunc_end2:
_tile_overlayer_lowered:
.L_overlay_start_2:
0xd9: {  	(tag) =	ssettag $0x2  }
0xda: {  	s0 =	rddreg [dreg:$0x0];
	s2 =	stileid.u32  }
0xdb: {  	s1 =	rddreg [dreg:$0x1];
	p0 =	sne.s32 s2, $0x0  }
0xdc: {  	s3 =	rddreg [dreg:$0x2];
	[bflag:$0x3] =	sbarrier.arrive $0xFFFF;
	s2 =	simm.s32 @!p0 $0x1C08  }
0xdd: {  	[timem:s3], [sflag:s2] =	dma.local @!p0 [hbm:s0], s1  }
0xde: {  	s0 =	simm.s32 @!p0 $0x8  }
0xdf: {  	_ =	swait.ge @!p0 [sflag:s0], s1  }
0xe0: {  	s1 =	ssub.s32 @!p0 $0x0, s1;
	[sflag:s0] =	ssyncset.done @!p0 $0x0  }
0xe1: {  	[sflag:s0] =	ssyncadd.s32 @!p0 s1  }
0xe2: {  	[bflag:$0x3] =	sbarrier.arrive $0xFFFF  }
0xe3: {  	_ =	shalt  }

</sc_bundles>
